<compile_context>
chip_gen: v7x
topology: tpu7x:2x2x1
jax: 0.10.2.dev20260603
libtpu: 0.0.44.dev20260713+nightly
codegen_flags: <defaults>
</compile_context>

<pallas_src>
import functools

import jax
import jax.numpy as jnp
from jax import lax
from jax.experimental import pallas as pl
from jax.experimental.pallas import tpu as pltpu
from jax.experimental.pallas import tpu_sc as plsc

IDX_MINOR = 128
SUB = 1
NB = 5
LANES = 128


@functools.lru_cache(maxsize=None)
def _build(n_idx_rows: int):
    mesh = plsc.VectorSubcoreMesh(core_axis_name="c", subcore_axis_name="s")
    nc, ns = mesh.num_cores, mesh.num_subcores
    nw = nc * ns
    assert n_idx_rows % (nw * SUB * NB) == 0
    idx_rows_per_w = n_idx_rows // nw
    chunks_per_w = idx_rows_per_w // SUB
    groups = chunks_per_w // NB
    rows_per_chunk = SUB * IDX_MINOR
    n_rows = n_idx_rows * IDX_MINOR

    @functools.partial(
        pl.kernel,
        out_type=jax.ShapeDtypeStruct((n_rows, LANES), jnp.float32),
        mesh=mesh,
        compiler_params=pltpu.CompilerParams(use_tc_tiling_on_sc=True),
        scratch_types=[
            pltpu.VMEM((idx_rows_per_w, IDX_MINOR), jnp.int32),
            pltpu.VMEM((NB, rows_per_chunk, LANES), jnp.float32),
            [pltpu.SemaphoreType.DMA] * NB,
            [pltpu.SemaphoreType.DMA] * NB,
        ],
    )
    def gather_kernel(idx_hbm, table_hbm, out_hbm, idx_v, rows_v, gsems, ssems):
        wid = lax.axis_index("s") * nc + lax.axis_index("c")
        row_base = wid * idx_rows_per_w
        pltpu.sync_copy(idx_hbm.at[pl.ds(row_base, idx_rows_per_w)], idx_v)

        def fire_gathers(ci, b):
            for j in range(SUB):
                pltpu.async_copy(
                    table_hbm.at[idx_v.at[ci * SUB + j]],
                    rows_v.at[b].at[pl.ds(j * IDX_MINOR, IDX_MINOR)],
                    gsems[b],
                )

        def drain_gathers(b):
            for j in range(SUB):
                pltpu.make_async_copy(
                    table_hbm.at[idx_v.at[j]],
                    rows_v.at[b].at[pl.ds(j * IDX_MINOR, IDX_MINOR)],
                    gsems[b],
                ).wait()

        def out_slice(ci):
            return out_hbm.at[pl.ds((row_base + ci * SUB) * IDX_MINOR, rows_per_chunk)]

        for b in range(NB):
            fire_gathers(b, b)

        @pl.loop(0, groups - 1)
        def group_loop(t):
            c0 = t * NB
            for b in range(NB):
                drain_gathers(b)
                pltpu.async_copy(rows_v.at[b], out_slice(c0 + b), ssems[b])
            for b in range(NB):
                pltpu.make_async_copy(rows_v.at[b], out_slice(0), ssems[b]).wait()
                fire_gathers(c0 + NB + b, b)

        c0 = (groups - 1) * NB
        for b in range(NB):
            drain_gathers(b)
            pltpu.async_copy(rows_v.at[b], out_slice(c0 + b), ssems[b])
        for b in range(NB):
            pltpu.make_async_copy(rows_v.at[b], out_slice(0), ssems[b]).wait()

    return gather_kernel


def kernel(input, weight):
    dim = weight.shape[1]
    idx2d = input.reshape(-1, IDX_MINOR).astype(jnp.int32)
    wpad = jnp.pad(weight, ((0, 0), (0, LANES - dim)))
    wide = _build(idx2d.shape[0])(idx2d, wpad)
    return wide[:, :dim].reshape(*input.shape, dim)

# --- scband reference (transcript-rebuilt; emitter-appended) ---
"""Pipeline reference for scband-normalized-embedding-11364483465482 (READ-ONLY COPY).

The authoritative reference and input builder live on the scoring server;
editing this copy changes nothing except your own understanding.
"""

import jax, jax.numpy as jnp
import numpy as np
import math

VOCAB = 100000
DIM = 64
EMBED_SCALE = 1.0 / math.sqrt(DIM)
EPS = 1e-06

def setup_inputs(seed: int = 0) -> dict:
    key = jax.random.key(seed)
    k1, k2 = jax.random.split(key)
    input_ids = jax.random.randint(k1, (4096, 200), 0, VOCAB, dtype=jnp.int64 if jax.config.jax_enable_x64 else jnp.int32)
    # weight initialized ~N(0,1) then RMS-normalized to target scale (mimics reset_parameters)
    w = jax.random.normal(k2, (VOCAB, DIM), dtype=jnp.float32)
    norm = jnp.linalg.norm(w, ord=2, axis=1, keepdims=True)
    norm = jnp.maximum(norm, 1e-12)
    w = w / norm * EMBED_SCALE * math.sqrt(DIM)
    return {"input": input_ids, "weight": w}

def reference(input, weight):
    # F.embedding: plain row gather (normalization is NOT applied in forward)
    return jnp.take(weight, input, axis=0)

if __name__ == "__main__":
    import jax
    _d = setup_inputs()
    print(jax.jit(kernel)(*tuple(_d.values())))

</pallas_src>

<mosaic_0001>
#map = affine_map<(d0, d1) -> (0, 0)>
module attributes {stable_mosaic.version = 14 : i64} {
  func.func @gather_kernel(%arg0: i32, %arg1: i32, %arg2: memref<6400x128xi32, #tpu.memory_space<hbm>>, %arg3: memref<100000x128xf32, #tpu.memory_space<hbm>>, %arg4: memref<819200x128xf32, #tpu.memory_space<hbm>>, %arg5: memref<200x128xi32, #tpu.memory_space<vmem>>, %arg6: memref<5x128x128xf32, #tpu.memory_space<vmem>>, %arg7: memref<!tpu.dma_semaphore, #tpu.memory_space<semaphore_mem>>, %arg8: memref<!tpu.dma_semaphore, #tpu.memory_space<semaphore_mem>>, %arg9: memref<!tpu.dma_semaphore, #tpu.memory_space<semaphore_mem>>, %arg10: memref<!tpu.dma_semaphore, #tpu.memory_space<semaphore_mem>>, %arg11: memref<!tpu.dma_semaphore, #tpu.memory_space<semaphore_mem>>, %arg12: memref<!tpu.dma_semaphore, #tpu.memory_space<semaphore_mem>>, %arg13: memref<!tpu.dma_semaphore, #tpu.memory_space<semaphore_mem>>, %arg14: memref<!tpu.dma_semaphore, #tpu.memory_space<semaphore_mem>>, %arg15: memref<!tpu.dma_semaphore, #tpu.memory_space<semaphore_mem>>, %arg16: memref<!tpu.dma_semaphore, #tpu.memory_space<semaphore_mem>>) attributes {dimension_semantics = [#tpu.dimension_semantics<core_parallel>, #tpu.dimension_semantics<subcore_parallel>], iteration_bounds = array<i64: 2, 16>, scalar_prefetch = 0 : i64, scratch_operands = 12 : i64, tpu.core_type = #tpu.core_type<sc_vector_subcore>, window_params = [{transform_indices = #map}, {transform_indices = #map}, {transform_indices = #map}]} {
    %mul3A = arith.constant 2 : i32
    %mul3A_0 = arith.muli %arg1, %mul3A : i32
    %add3A = arith.addi %mul3A_0, %arg0 : i32
    %mul3A_1 = arith.constant 200 : i32
    %mul3A_2 = arith.muli %add3A, %mul3A_1 : i32
    "tpu.region"() ({
      %run_scoped3A = tpu.sem_alloc : memref<!tpu.dma_semaphore, #tpu.memory_space<semaphore_mem>>
      %dma_start3A_325 = arith.constant 0 : i32
      %dma_start3A_326 = tpu.memref_slice %arg2[%mul3A_2, %dma_start3A_325] : memref<6400x128xi32, #tpu.memory_space<hbm>> -> memref<200x128xi32, #tpu.memory_space<hbm>>
      %dma_start3A_327 = arith.constant 0 : i32
      %dma_start3A_328 = tpu.memref_slice %arg2[%mul3A_2, %dma_start3A_327] : memref<6400x128xi32, #tpu.memory_space<hbm>> -> memref<200x128xi32, #tpu.memory_space<hbm>>
      tpu.enqueue_dma source(%dma_start3A_328 : memref<200x128xi32, #tpu.memory_space<hbm>>) target(%arg5 : memref<200x128xi32, #tpu.memory_space<vmem>>) target_semaphore(%run_scoped3A : memref<!tpu.dma_semaphore, #tpu.memory_space<semaphore_mem>>)
      %dma_wait3A_329 = arith.constant 0 : i32
      %dma_wait3A_330 = tpu.memref_slice %arg2[%mul3A_2, %dma_wait3A_329] : memref<6400x128xi32, #tpu.memory_space<hbm>> -> memref<200x128xi32, #tpu.memory_space<hbm>>
      %dma_wait3A_331 = arith.constant 0 : i32
      %dma_wait3A_332 = tpu.memref_slice %arg2[%mul3A_2, %dma_wait3A_331] : memref<6400x128xi32, #tpu.memory_space<hbm>> -> memref<200x128xi32, #tpu.memory_space<hbm>>
      tpu.wait_dma2 semaphore(%run_scoped3A : memref<!tpu.dma_semaphore, #tpu.memory_space<semaphore_mem>>) src(%dma_wait3A_332 : memref<200x128xi32, #tpu.memory_space<hbm>>) dst(%arg5 : memref<200x128xi32, #tpu.memory_space<vmem>>)
      tpu.yield
    }) : () -> ()
    %dma_start3A = arith.constant 0 : i32
    %dma_start3A_3 = arith.constant 0 : i32
    %dma_start3A_4 = arith.constant 0 : i32
    %dma_start3A_5 = arith.constant 0 : i32
    %dma_start3A_6 = tpu.memref_slice %arg6[%dma_start3A_3, %dma_start3A_4, %dma_start3A_5] : memref<5x128x128xf32, #tpu.memory_space<vmem>> -> memref<1x128x128xf32, #tpu.memory_space<vmem>>
    %dma_start3A_7 = tpu.memref_squeeze %dma_start3A_6 : memref<1x128x128xf32, #tpu.memory_space<vmem>> -> memref<128x128xf32, #tpu.memory_space<vmem>>
    %dma_start3A_8 = arith.constant 0 : i32
    %dma_start3A_9 = arith.constant 0 : i32
    %dma_start3A_10 = tpu.memref_slice %dma_start3A_7[%dma_start3A_8, %dma_start3A_9] : memref<128x128xf32, #tpu.memory_space<vmem>> -> memref<128x128xf32, #tpu.memory_space<vmem>>
    %dma_start3A_11 = arith.constant 0 : i32
    %dma_start3A_12 = tpu.memref_slice %arg5[%dma_start3A, %dma_start3A_11] : memref<200x128xi32, #tpu.memory_space<vmem>> -> memref<1x128xi32, #tpu.memory_space<vmem>>
    %dma_start3A_13 = tpu.memref_squeeze %dma_start3A_12 : memref<1x128xi32, #tpu.memory_space<vmem>> -> memref<128xi32, #tpu.memory_space<vmem>>
    %dma_start3A_14 = arith.constant 0 : i32
    %dma_start3A_15 = arith.constant 0 : i32
    %dma_start3A_16 = tpu.memref_slice %arg3[%dma_start3A_14, %dma_start3A_15] : memref<100000x128xf32, #tpu.memory_space<hbm>> -> memref<100000x128xf32, #tpu.memory_space<hbm>>
    tpu.enqueue_indirect_dma source(%dma_start3A_16 : memref<100000x128xf32, #tpu.memory_space<hbm>>) target(%dma_start3A_10 : memref<128x128xf32, #tpu.memory_space<vmem>>) offsets(%dma_start3A_13 : memref<128xi32, #tpu.memory_space<vmem>>) semaphore(%arg7 : memref<!tpu.dma_semaphore, #tpu.memory_space<semaphore_mem>>)
    %dma_start3A_17 = arith.constant 1 : i32
    %dma_start3A_18 = arith.constant 1 : i32
    %dma_start3A_19 = arith.constant 0 : i32
    %dma_start3A_20 = arith.constant 0 : i32
    %dma_start3A_21 = tpu.memref_slice %arg6[%dma_start3A_18, %dma_start3A_19, %dma_start3A_20] : memref<5x128x128xf32, #tpu.memory_space<vmem>> -> memref<1x128x128xf32, #tpu.memory_space<vmem>>
    %dma_start3A_22 = tpu.memref_squeeze %dma_start3A_21 : memref<1x128x128xf32, #tpu.memory_space<vmem>> -> memref<128x128xf32, #tpu.memory_space<vmem>>
    %dma_start3A_23 = arith.constant 0 : i32
    %dma_start3A_24 = arith.constant 0 : i32
    %dma_start3A_25 = tpu.memref_slice %dma_start3A_22[%dma_start3A_23, %dma_start3A_24] : memref<128x128xf32, #tpu.memory_space<vmem>> -> memref<128x128xf32, #tpu.memory_space<vmem>>
    %dma_start3A_26 = arith.constant 0 : i32
    %dma_start3A_27 = tpu.memref_slice %arg5[%dma_start3A_17, %dma_start3A_26] : memref<200x128xi32, #tpu.memory_space<vmem>> -> memref<1x128xi32, #tpu.memory_space<vmem>>
    %dma_start3A_28 = tpu.memref_squeeze %dma_start3A_27 : memref<1x128xi32, #tpu.memory_space<vmem>> -> memref<128xi32, #tpu.memory_space<vmem>>
    %dma_start3A_29 = arith.constant 0 : i32
    %dma_start3A_30 = arith.constant 0 : i32
    %dma_start3A_31 = tpu.memref_slice %arg3[%dma_start3A_29, %dma_start3A_30] : memref<100000x128xf32, #tpu.memory_space<hbm>> -> memref<100000x128xf32, #tpu.memory_space<hbm>>
    tpu.enqueue_indirect_dma source(%dma_start3A_31 : memref<100000x128xf32, #tpu.memory_space<hbm>>) target(%dma_start3A_25 : memref<128x128xf32, #tpu.memory_space<vmem>>) offsets(%dma_start3A_28 : memref<128xi32, #tpu.memory_space<vmem>>) semaphore(%arg8 : memref<!tpu.dma_semaphore, #tpu.memory_space<semaphore_mem>>)
    %dma_start3A_32 = arith.constant 2 : i32
    %dma_start3A_33 = arith.constant 2 : i32
    %dma_start3A_34 = arith.constant 0 : i32
    %dma_start3A_35 = arith.constant 0 : i32
    %dma_start3A_36 = tpu.memref_slice %arg6[%dma_start3A_33, %dma_start3A_34, %dma_start3A_35] : memref<5x128x128xf32, #tpu.memory_space<vmem>> -> memref<1x128x128xf32, #tpu.memory_space<vmem>>
    %dma_start3A_37 = tpu.memref_squeeze %dma_start3A_36 : memref<1x128x128xf32, #tpu.memory_space<vmem>> -> memref<128x128xf32, #tpu.memory_space<vmem>>
    %dma_start3A_38 = arith.constant 0 : i32
    %dma_start3A_39 = arith.constant 0 : i32
    %dma_start3A_40 = tpu.memref_slice %dma_start3A_37[%dma_start3A_38, %dma_start3A_39] : memref<128x128xf32, #tpu.memory_space<vmem>> -> memref<128x128xf32, #tpu.memory_space<vmem>>
    %dma_start3A_41 = arith.constant 0 : i32
    %dma_start3A_42 = tpu.memref_slice %arg5[%dma_start3A_32, %dma_start3A_41] : memref<200x128xi32, #tpu.memory_space<vmem>> -> memref<1x128xi32, #tpu.memory_space<vmem>>
    %dma_start3A_43 = tpu.memref_squeeze %dma_start3A_42 : memref<1x128xi32, #tpu.memory_space<vmem>> -> memref<128xi32, #tpu.memory_space<vmem>>
    %dma_start3A_44 = arith.constant 0 : i32
    %dma_start3A_45 = arith.constant 0 : i32
    %dma_start3A_46 = tpu.memref_slice %arg3[%dma_start3A_44, %dma_start3A_45] : memref<100000x128xf32, #tpu.memory_space<hbm>> -> memref<100000x128xf32, #tpu.memory_space<hbm>>
    tpu.enqueue_indirect_dma source(%dma_start3A_46 : memref<100000x128xf32, #tpu.memory_space<hbm>>) target(%dma_start3A_40 : memref<128x128xf32, #tpu.memory_space<vmem>>) offsets(%dma_start3A_43 : memref<128xi32, #tpu.memory_space<vmem>>) semaphore(%arg9 : memref<!tpu.dma_semaphore, #tpu.memory_space<semaphore_mem>>)
    %dma_start3A_47 = arith.constant 3 : i32
    %dma_start3A_48 = arith.constant 3 : i32
    %dma_start3A_49 = arith.constant 0 : i32
    %dma_start3A_50 = arith.constant 0 : i32
    %dma_start3A_51 = tpu.memref_slice %arg6[%dma_start3A_48, %dma_start3A_49, %dma_start3A_50] : memref<5x128x128xf32, #tpu.memory_space<vmem>> -> memref<1x128x128xf32, #tpu.memory_space<vmem>>
    %dma_start3A_52 = tpu.memref_squeeze %dma_start3A_51 : memref<1x128x128xf32, #tpu.memory_space<vmem>> -> memref<128x128xf32, #tpu.memory_space<vmem>>
    %dma_start3A_53 = arith.constant 0 : i32
    %dma_start3A_54 = arith.constant 0 : i32
    %dma_start3A_55 = tpu.memref_slice %dma_start3A_52[%dma_start3A_53, %dma_start3A_54] : memref<128x128xf32, #tpu.memory_space<vmem>> -> memref<128x128xf32, #tpu.memory_space<vmem>>
    %dma_start3A_56 = arith.constant 0 : i32
    %dma_start3A_57 = tpu.memref_slice %arg5[%dma_start3A_47, %dma_start3A_56] : memref<200x128xi32, #tpu.memory_space<vmem>> -> memref<1x128xi32, #tpu.memory_space<vmem>>
    %dma_start3A_58 = tpu.memref_squeeze %dma_start3A_57 : memref<1x128xi32, #tpu.memory_space<vmem>> -> memref<128xi32, #tpu.memory_space<vmem>>
    %dma_start3A_59 = arith.constant 0 : i32
    %dma_start3A_60 = arith.constant 0 : i32
    %dma_start3A_61 = tpu.memref_slice %arg3[%dma_start3A_59, %dma_start3A_60] : memref<100000x128xf32, #tpu.memory_space<hbm>> -> memref<100000x128xf32, #tpu.memory_space<hbm>>
    tpu.enqueue_indirect_dma source(%dma_start3A_61 : memref<100000x128xf32, #tpu.memory_space<hbm>>) target(%dma_start3A_55 : memref<128x128xf32, #tpu.memory_space<vmem>>) offsets(%dma_start3A_58 : memref<128xi32, #tpu.memory_space<vmem>>) semaphore(%arg10 : memref<!tpu.dma_semaphore, #tpu.memory_space<semaphore_mem>>)
    %dma_start3A_62 = arith.constant 4 : i32
    %dma_start3A_63 = arith.constant 4 : i32
    %dma_start3A_64 = arith.constant 0 : i32
    %dma_start3A_65 = arith.constant 0 : i32
    %dma_start3A_66 = tpu.memref_slice %arg6[%dma_start3A_63, %dma_start3A_64, %dma_start3A_65] : memref<5x128x128xf32, #tpu.memory_space<vmem>> -> memref<1x128x128xf32, #tpu.memory_space<vmem>>
    %dma_start3A_67 = tpu.memref_squeeze %dma_start3A_66 : memref<1x128x128xf32, #tpu.memory_space<vmem>> -> memref<128x128xf32, #tpu.memory_space<vmem>>
    %dma_start3A_68 = arith.constant 0 : i32
    %dma_start3A_69 = arith.constant 0 : i32
    %dma_start3A_70 = tpu.memref_slice %dma_start3A_67[%dma_start3A_68, %dma_start3A_69] : memref<128x128xf32, #tpu.memory_space<vmem>> -> memref<128x128xf32, #tpu.memory_space<vmem>>
    %dma_start3A_71 = arith.constant 0 : i32
    %dma_start3A_72 = tpu.memref_slice %arg5[%dma_start3A_62, %dma_start3A_71] : memref<200x128xi32, #tpu.memory_space<vmem>> -> memref<1x128xi32, #tpu.memory_space<vmem>>
    %dma_start3A_73 = tpu.memref_squeeze %dma_start3A_72 : memref<1x128xi32, #tpu.memory_space<vmem>> -> memref<128xi32, #tpu.memory_space<vmem>>
    %dma_start3A_74 = arith.constant 0 : i32
    %dma_start3A_75 = arith.constant 0 : i32
    %dma_start3A_76 = tpu.memref_slice %arg3[%dma_start3A_74, %dma_start3A_75] : memref<100000x128xf32, #tpu.memory_space<hbm>> -> memref<100000x128xf32, #tpu.memory_space<hbm>>
    tpu.enqueue_indirect_dma source(%dma_start3A_76 : memref<100000x128xf32, #tpu.memory_space<hbm>>) target(%dma_start3A_70 : memref<128x128xf32, #tpu.memory_space<vmem>>) offsets(%dma_start3A_73 : memref<128xi32, #tpu.memory_space<vmem>>) semaphore(%arg11 : memref<!tpu.dma_semaphore, #tpu.memory_space<semaphore_mem>>)
    %scan3A = arith.constant 0 : i32
    %scan3A_77 = arith.constant 39 : i32
    %scan3A_78 = arith.addi %scan3A, %scan3A_77 : i32
    %scan3A_79 = arith.constant 1 : i32
    scf.for %scan3A_325 = %scan3A to %scan3A_78 step %scan3A_79  : i32 {
      %mul3A_326 = arith.constant 1 : i32
      %mul3A_327 = arith.muli %scan3A_325, %mul3A_326 : i32
      %add3A_328 = arith.constant 0 : i32
      %add3A_329 = arith.addi %add3A_328, %mul3A_327 : i32
      %mul3A_330 = arith.constant 5 : i32
      %mul3A_331 = arith.muli %add3A_329, %mul3A_330 : i32
      %dma_wait3A_332 = arith.constant 0 : i32
      %dma_wait3A_333 = arith.constant 0 : i32
      %dma_wait3A_334 = arith.constant 0 : i32
      %dma_wait3A_335 = arith.constant 0 : i32
      %dma_wait3A_336 = tpu.memref_slice %arg6[%dma_wait3A_333, %dma_wait3A_334, %dma_wait3A_335] : memref<5x128x128xf32, #tpu.memory_space<vmem>> -> memref<1x128x128xf32, #tpu.memory_space<vmem>>
      %dma_wait3A_337 = tpu.memref_squeeze %dma_wait3A_336 : memref<1x128x128xf32, #tpu.memory_space<vmem>> -> memref<128x128xf32, #tpu.memory_space<vmem>>
      %dma_wait3A_338 = arith.constant 0 : i32
      %dma_wait3A_339 = arith.constant 0 : i32
      %dma_wait3A_340 = tpu.memref_slice %dma_wait3A_337[%dma_wait3A_338, %dma_wait3A_339] : memref<128x128xf32, #tpu.memory_space<vmem>> -> memref<128x128xf32, #tpu.memory_space<vmem>>
      %dma_wait3A_341 = arith.constant 0 : i32
      %dma_wait3A_342 = tpu.memref_slice %arg5[%dma_wait3A_332, %dma_wait3A_341] : memref<200x128xi32, #tpu.memory_space<vmem>> -> memref<1x128xi32, #tpu.memory_space<vmem>>
      %dma_wait3A_343 = tpu.memref_squeeze %dma_wait3A_342 : memref<1x128xi32, #tpu.memory_space<vmem>> -> memref<128xi32, #tpu.memory_space<vmem>>
      %dma_wait3A_344 = arith.constant 0 : i32
      %dma_wait3A_345 = arith.constant 0 : i32
      %dma_wait3A_346 = tpu.memref_slice %arg3[%dma_wait3A_344, %dma_wait3A_345] : memref<100000x128xf32, #tpu.memory_space<hbm>> -> memref<100000x128xf32, #tpu.memory_space<hbm>>
      tpu.wait_indirect_dma semaphore(%arg7 : memref<!tpu.dma_semaphore, #tpu.memory_space<semaphore_mem>>) src(%dma_wait3A_346 : memref<100000x128xf32, #tpu.memory_space<hbm>>) dst(%dma_wait3A_340 : memref<128x128xf32, #tpu.memory_space<vmem>>)
      %add3A_347 = arith.constant 0 : i32
      %add3A_348 = arith.addi %mul3A_331, %add3A_347 : i32
      %mul3A_349 = arith.constant 1 : i32
      %mul3A_350 = arith.muli %add3A_348, %mul3A_349 : i32
      %add3A_351 = arith.addi %mul3A_2, %mul3A_350 : i32
      %mul3A_352 = arith.constant 128 : i32
      %mul3A_353 = arith.muli %add3A_351, %mul3A_352 : i32
      %dma_start3A_354 = arith.constant 0 : i32
      %dma_start3A_355 = arith.constant 0 : i32
      %dma_start3A_356 = arith.constant 0 : i32
      %dma_start3A_357 = tpu.memref_slice %arg6[%dma_start3A_354, %dma_start3A_355, %dma_start3A_356] : memref<5x128x128xf32, #tpu.memory_space<vmem>> -> memref<1x128x128xf32, #tpu.memory_space<vmem>>
      %dma_start3A_358 = tpu.memref_squeeze %dma_start3A_357 : memref<1x128x128xf32, #tpu.memory_space<vmem>> -> memref<128x128xf32, #tpu.memory_space<vmem>>
      %dma_start3A_359 = arith.constant 0 : i32
      %dma_start3A_360 = tpu.memref_slice %arg4[%mul3A_353, %dma_start3A_359] : memref<819200x128xf32, #tpu.memory_space<hbm>> -> memref<128x128xf32, #tpu.memory_space<hbm>>
      %dma_start3A_361 = arith.constant 0 : i32
      %dma_start3A_362 = tpu.memref_slice %arg4[%mul3A_353, %dma_start3A_361] : memref<819200x128xf32, #tpu.memory_space<hbm>> -> memref<128x128xf32, #tpu.memory_space<hbm>>
      %dma_start3A_363 = arith.constant 0 : i32
      %dma_start3A_364 = arith.constant 0 : i32
      %dma_start3A_365 = tpu.memref_slice %arg6[%dma_start3A_354, %dma_start3A_363, %dma_start3A_364] : memref<5x128x128xf32, #tpu.memory_space<vmem>> -> memref<1x128x128xf32, #tpu.memory_space<vmem>>
      %dma_start3A_366 = tpu.memref_squeeze %dma_start3A_365 : memref<1x128x128xf32, #tpu.memory_space<vmem>> -> memref<128x128xf32, #tpu.memory_space<vmem>>
      tpu.enqueue_dma source(%dma_start3A_366 : memref<128x128xf32, #tpu.memory_space<vmem>>) target(%dma_start3A_362 : memref<128x128xf32, #tpu.memory_space<hbm>>) target_semaphore(%arg12 : memref<!tpu.dma_semaphore, #tpu.memory_space<semaphore_mem>>)
      %dma_wait3A_367 = arith.constant 0 : i32
      %dma_wait3A_368 = arith.constant 1 : i32
      %dma_wait3A_369 = arith.constant 0 : i32
      %dma_wait3A_370 = arith.constant 0 : i32
      %dma_wait3A_371 = tpu.memref_slice %arg6[%dma_wait3A_368, %dma_wait3A_369, %dma_wait3A_370] : memref<5x128x128xf32, #tpu.memory_space<vmem>> -> memref<1x128x128xf32, #tpu.memory_space<vmem>>
      %dma_wait3A_372 = tpu.memref_squeeze %dma_wait3A_371 : memref<1x128x128xf32, #tpu.memory_space<vmem>> -> memref<128x128xf32, #tpu.memory_space<vmem>>
      %dma_wait3A_373 = arith.constant 0 : i32
      %dma_wait3A_374 = arith.constant 0 : i32
      %dma_wait3A_375 = tpu.memref_slice %dma_wait3A_372[%dma_wait3A_373, %dma_wait3A_374] : memref<128x128xf32, #tpu.memory_space<vmem>> -> memref<128x128xf32, #tpu.memory_space<vmem>>
      %dma_wait3A_376 = arith.constant 0 : i32
      %dma_wait3A_377 = tpu.memref_slice %arg5[%dma_wait3A_367, %dma_wait3A_376] : memref<200x128xi32, #tpu.memory_space<vmem>> -> memref<1x128xi32, #tpu.memory_space<vmem>>
      %dma_wait3A_378 = tpu.memref_squeeze %dma_wait3A_377 : memref<1x128xi32, #tpu.memory_space<vmem>> -> memref<128xi32, #tpu.memory_space<vmem>>
      %dma_wait3A_379 = arith.constant 0 : i32
      %dma_wait3A_380 = arith.constant 0 : i32
      %dma_wait3A_381 = tpu.memref_slice %arg3[%dma_wait3A_379, %dma_wait3A_380] : memref<100000x128xf32, #tpu.memory_space<hbm>> -> memref<100000x128xf32, #tpu.memory_space<hbm>>
      tpu.wait_indirect_dma semaphore(%arg8 : memref<!tpu.dma_semaphore, #tpu.memory_space<semaphore_mem>>) src(%dma_wait3A_381 : memref<100000x128xf32, #tpu.memory_space<hbm>>) dst(%dma_wait3A_375 : memref<128x128xf32, #tpu.memory_space<vmem>>)
      %add3A_382 = arith.constant 1 : i32
      %add3A_383 = arith.addi %mul3A_331, %add3A_382 : i32
      %mul3A_384 = arith.constant 1 : i32
      %mul3A_385 = arith.muli %add3A_383, %mul3A_384 : i32
      %add3A_386 = arith.addi %mul3A_2, %mul3A_385 : i32
      %mul3A_387 = arith.constant 128 : i32
      %mul3A_388 = arith.muli %add3A_386, %mul3A_387 : i32
      %dma_start3A_389 = arith.constant 1 : i32
      %dma_start3A_390 = arith.constant 0 : i32
      %dma_start3A_391 = arith.constant 0 : i32
      %dma_start3A_392 = tpu.memref_slice %arg6[%dma_start3A_389, %dma_start3A_390, %dma_start3A_391] : memref<5x128x128xf32, #tpu.memory_space<vmem>> -> memref<1x128x128xf32, #tpu.memory_space<vmem>>
      %dma_start3A_393 = tpu.memref_squeeze %dma_start3A_392 : memref<1x128x128xf32, #tpu.memory_space<vmem>> -> memref<128x128xf32, #tpu.memory_space<vmem>>
      %dma_start3A_394 = arith.constant 0 : i32
      %dma_start3A_395 = tpu.memref_slice %arg4[%mul3A_388, %dma_start3A_394] : memref<819200x128xf32, #tpu.memory_space<hbm>> -> memref<128x128xf32, #tpu.memory_space<hbm>>
      %dma_start3A_396 = arith.constant 0 : i32
      %dma_start3A_397 = tpu.memref_slice %arg4[%mul3A_388, %dma_start3A_396] : memref<819200x128xf32, #tpu.memory_space<hbm>> -> memref<128x128xf32, #tpu.memory_space<hbm>>
      %dma_start3A_398 = arith.constant 0 : i32
      %dma_start3A_399 = arith.constant 0 : i32
      %dma_start3A_400 = tpu.memref_slice %arg6[%dma_start3A_389, %dma_start3A_398, %dma_start3A_399] : memref<5x128x128xf32, #tpu.memory_space<vmem>> -> memref<1x128x128xf32, #tpu.memory_space<vmem>>
      %dma_start3A_401 = tpu.memref_squeeze %dma_start3A_400 : memref<1x128x128xf32, #tpu.memory_space<vmem>> -> memref<128x128xf32, #tpu.memory_space<vmem>>
      tpu.enqueue_dma source(%dma_start3A_401 : memref<128x128xf32, #tpu.memory_space<vmem>>) target(%dma_start3A_397 : memref<128x128xf32, #tpu.memory_space<hbm>>) target_semaphore(%arg13 : memref<!tpu.dma_semaphore, #tpu.memory_space<semaphore_mem>>)
      %dma_wait3A_402 = arith.constant 0 : i32
      %dma_wait3A_403 = arith.constant 2 : i32
      %dma_wait3A_404 = arith.constant 0 : i32
      %dma_wait3A_405 = arith.constant 0 : i32
      %dma_wait3A_406 = tpu.memref_slice %arg6[%dma_wait3A_403, %dma_wait3A_404, %dma_wait3A_405] : memref<5x128x128xf32, #tpu.memory_space<vmem>> -> memref<1x128x128xf32, #tpu.memory_space<vmem>>
      %dma_wait3A_407 = tpu.memref_squeeze %dma_wait3A_406 : memref<1x128x128xf32, #tpu.memory_space<vmem>> -> memref<128x128xf32, #tpu.memory_space<vmem>>
      %dma_wait3A_408 = arith.constant 0 : i32
      %dma_wait3A_409 = arith.constant 0 : i32
      %dma_wait3A_410 = tpu.memref_slice %dma_wait3A_407[%dma_wait3A_408, %dma_wait3A_409] : memref<128x128xf32, #tpu.memory_space<vmem>> -> memref<128x128xf32, #tpu.memory_space<vmem>>
      %dma_wait3A_411 = arith.constant 0 : i32
      %dma_wait3A_412 = tpu.memref_slice %arg5[%dma_wait3A_402, %dma_wait3A_411] : memref<200x128xi32, #tpu.memory_space<vmem>> -> memref<1x128xi32, #tpu.memory_space<vmem>>
      %dma_wait3A_413 = tpu.memref_squeeze %dma_wait3A_412 : memref<1x128xi32, #tpu.memory_space<vmem>> -> memref<128xi32, #tpu.memory_space<vmem>>
      %dma_wait3A_414 = arith.constant 0 : i32
      %dma_wait3A_415 = arith.constant 0 : i32
      %dma_wait3A_416 = tpu.memref_slice %arg3[%dma_wait3A_414, %dma_wait3A_415] : memref<100000x128xf32, #tpu.memory_space<hbm>> -> memref<100000x128xf32, #tpu.memory_space<hbm>>
      tpu.wait_indirect_dma semaphore(%arg9 : memref<!tpu.dma_semaphore, #tpu.memory_space<semaphore_mem>>) src(%dma_wait3A_416 : memref<100000x128xf32, #tpu.memory_space<hbm>>) dst(%dma_wait3A_410 : memref<128x128xf32, #tpu.memory_space<vmem>>)
      %add3A_417 = arith.constant 2 : i32
      %add3A_418 = arith.addi %mul3A_331, %add3A_417 : i32
      %mul3A_419 = arith.constant 1 : i32
      %mul3A_420 = arith.muli %add3A_418, %mul3A_419 : i32
      %add3A_421 = arith.addi %mul3A_2, %mul3A_420 : i32
      %mul3A_422 = arith.constant 128 : i32
      %mul3A_423 = arith.muli %add3A_421, %mul3A_422 : i32
      %dma_start3A_424 = arith.constant 2 : i32
      %dma_start3A_425 = arith.constant 0 : i32
      %dma_start3A_426 = arith.constant 0 : i32
      %dma_start3A_427 = tpu.memref_slice %arg6[%dma_start3A_424, %dma_start3A_425, %dma_start3A_426] : memref<5x128x128xf32, #tpu.memory_space<vmem>> -> memref<1x128x128xf32, #tpu.memory_space<vmem>>
      %dma_start3A_428 = tpu.memref_squeeze %dma_start3A_427 : memref<1x128x128xf32, #tpu.memory_space<vmem>> -> memref<128x128xf32, #tpu.memory_space<vmem>>
      %dma_start3A_429 = arith.constant 0 : i32
      %dma_start3A_430 = tpu.memref_slice %arg4[%mul3A_423, %dma_start3A_429] : memref<819200x128xf32, #tpu.memory_space<hbm>> -> memref<128x128xf32, #tpu.memory_space<hbm>>
      %dma_start3A_431 = arith.constant 0 : i32
      %dma_start3A_432 = tpu.memref_slice %arg4[%mul3A_423, %dma_start3A_431] : memref<819200x128xf32, #tpu.memory_space<hbm>> -> memref<128x128xf32, #tpu.memory_space<hbm>>
      %dma_start3A_433 = arith.constant 0 : i32
      %dma_start3A_434 = arith.constant 0 : i32
      %dma_start3A_435 = tpu.memref_slice %arg6[%dma_start3A_424, %dma_start3A_433, %dma_start3A_434] : memref<5x128x128xf32, #tpu.memory_space<vmem>> -> memref<1x128x128xf32, #tpu.memory_space<vmem>>
      %dma_start3A_436 = tpu.memref_squeeze %dma_start3A_435 : memref<1x128x128xf32, #tpu.memory_space<vmem>> -> memref<128x128xf32, #tpu.memory_space<vmem>>
      tpu.enqueue_dma source(%dma_start3A_436 : memref<128x128xf32, #tpu.memory_space<vmem>>) target(%dma_start3A_432 : memref<128x128xf32, #tpu.memory_space<hbm>>) target_semaphore(%arg14 : memref<!tpu.dma_semaphore, #tpu.memory_space<semaphore_mem>>)
      %dma_wait3A_437 = arith.constant 0 : i32
      %dma_wait3A_438 = arith.constant 3 : i32
      %dma_wait3A_439 = arith.constant 0 : i32
      %dma_wait3A_440 = arith.constant 0 : i32
      %dma_wait3A_441 = tpu.memref_slice %arg6[%dma_wait3A_438, %dma_wait3A_439, %dma_wait3A_440] : memref<5x128x128xf32, #tpu.memory_space<vmem>> -> memref<1x128x128xf32, #tpu.memory_space<vmem>>
      %dma_wait3A_442 = tpu.memref_squeeze %dma_wait3A_441 : memref<1x128x128xf32, #tpu.memory_space<vmem>> -> memref<128x128xf32, #tpu.memory_space<vmem>>
      %dma_wait3A_443 = arith.constant 0 : i32
      %dma_wait3A_444 = arith.constant 0 : i32
      %dma_wait3A_445 = tpu.memref_slice %dma_wait3A_442[%dma_wait3A_443, %dma_wait3A_444] : memref<128x128xf32, #tpu.memory_space<vmem>> -> memref<128x128xf32, #tpu.memory_space<vmem>>
      %dma_wait3A_446 = arith.constant 0 : i32
      %dma_wait3A_447 = tpu.memref_slice %arg5[%dma_wait3A_437, %dma_wait3A_446] : memref<200x128xi32, #tpu.memory_space<vmem>> -> memref<1x128xi32, #tpu.memory_space<vmem>>
      %dma_wait3A_448 = tpu.memref_squeeze %dma_wait3A_447 : memref<1x128xi32, #tpu.memory_space<vmem>> -> memref<128xi32, #tpu.memory_space<vmem>>
      %dma_wait3A_449 = arith.constant 0 : i32
      %dma_wait3A_450 = arith.constant 0 : i32
      %dma_wait3A_451 = tpu.memref_slice %arg3[%dma_wait3A_449, %dma_wait3A_450] : memref<100000x128xf32, #tpu.memory_space<hbm>> -> memref<100000x128xf32, #tpu.memory_space<hbm>>
      tpu.wait_indirect_dma semaphore(%arg10 : memref<!tpu.dma_semaphore, #tpu.memory_space<semaphore_mem>>) src(%dma_wait3A_451 : memref<100000x128xf32, #tpu.memory_space<hbm>>) dst(%dma_wait3A_445 : memref<128x128xf32, #tpu.memory_space<vmem>>)
      %add3A_452 = arith.constant 3 : i32
      %add3A_453 = arith.addi %mul3A_331, %add3A_452 : i32
      %mul3A_454 = arith.constant 1 : i32
      %mul3A_455 = arith.muli %add3A_453, %mul3A_454 : i32
      %add3A_456 = arith.addi %mul3A_2, %mul3A_455 : i32
      %mul3A_457 = arith.constant 128 : i32
      %mul3A_458 = arith.muli %add3A_456, %mul3A_457 : i32
      %dma_start3A_459 = arith.constant 3 : i32
      %dma_start3A_460 = arith.constant 0 : i32
      %dma_start3A_461 = arith.constant 0 : i32
      %dma_start3A_462 = tpu.memref_slice %arg6[%dma_start3A_459, %dma_start3A_460, %dma_start3A_461] : memref<5x128x128xf32, #tpu.memory_space<vmem>> -> memref<1x128x128xf32, #tpu.memory_space<vmem>>
      %dma_start3A_463 = tpu.memref_squeeze %dma_start3A_462 : memref<1x128x128xf32, #tpu.memory_space<vmem>> -> memref<128x128xf32, #tpu.memory_space<vmem>>
      %dma_start3A_464 = arith.constant 0 : i32
      %dma_start3A_465 = tpu.memref_slice %arg4[%mul3A_458, %dma_start3A_464] : memref<819200x128xf32, #tpu.memory_space<hbm>> -> memref<128x128xf32, #tpu.memory_space<hbm>>
      %dma_start3A_466 = arith.constant 0 : i32
      %dma_start3A_467 = tpu.memref_slice %arg4[%mul3A_458, %dma_start3A_466] : memref<819200x128xf32, #tpu.memory_space<hbm>> -> memref<128x128xf32, #tpu.memory_space<hbm>>
      %dma_start3A_468 = arith.constant 0 : i32
      %dma_start3A_469 = arith.constant 0 : i32
      %dma_start3A_470 = tpu.memref_slice %arg6[%dma_start3A_459, %dma_start3A_468, %dma_start3A_469] : memref<5x128x128xf32, #tpu.memory_space<vmem>> -> memref<1x128x128xf32, #tpu.memory_space<vmem>>
      %dma_start3A_471 = tpu.memref_squeeze %dma_start3A_470 : memref<1x128x128xf32, #tpu.memory_space<vmem>> -> memref<128x128xf32, #tpu.memory_space<vmem>>
      tpu.enqueue_dma source(%dma_start3A_471 : memref<128x128xf32, #tpu.memory_space<vmem>>) target(%dma_start3A_467 : memref<128x128xf32, #tpu.memory_space<hbm>>) target_semaphore(%arg15 : memref<!tpu.dma_semaphore, #tpu.memory_space<semaphore_mem>>)
      %dma_wait3A_472 = arith.constant 0 : i32
      %dma_wait3A_473 = arith.constant 4 : i32
      %dma_wait3A_474 = arith.constant 0 : i32
      %dma_wait3A_475 = arith.constant 0 : i32
      %dma_wait3A_476 = tpu.memref_slice %arg6[%dma_wait3A_473, %dma_wait3A_474, %dma_wait3A_475] : memref<5x128x128xf32, #tpu.memory_space<vmem>> -> memref<1x128x128xf32, #tpu.memory_space<vmem>>
      %dma_wait3A_477 = tpu.memref_squeeze %dma_wait3A_476 : memref<1x128x128xf32, #tpu.memory_space<vmem>> -> memref<128x128xf32, #tpu.memory_space<vmem>>
      %dma_wait3A_478 = arith.constant 0 : i32
      %dma_wait3A_479 = arith.constant 0 : i32
      %dma_wait3A_480 = tpu.memref_slice %dma_wait3A_477[%dma_wait3A_478, %dma_wait3A_479] : memref<128x128xf32, #tpu.memory_space<vmem>> -> memref<128x128xf32, #tpu.memory_space<vmem>>
      %dma_wait3A_481 = arith.constant 0 : i32
      %dma_wait3A_482 = tpu.memref_slice %arg5[%dma_wait3A_472, %dma_wait3A_481] : memref<200x128xi32, #tpu.memory_space<vmem>> -> memref<1x128xi32, #tpu.memory_space<vmem>>
      %dma_wait3A_483 = tpu.memref_squeeze %dma_wait3A_482 : memref<1x128xi32, #tpu.memory_space<vmem>> -> memref<128xi32, #tpu.memory_space<vmem>>
      %dma_wait3A_484 = arith.constant 0 : i32
      %dma_wait3A_485 = arith.constant 0 : i32
      %dma_wait3A_486 = tpu.memref_slice %arg3[%dma_wait3A_484, %dma_wait3A_485] : memref<100000x128xf32, #tpu.memory_space<hbm>> -> memref<100000x128xf32, #tpu.memory_space<hbm>>
      tpu.wait_indirect_dma semaphore(%arg11 : memref<!tpu.dma_semaphore, #tpu.memory_space<semaphore_mem>>) src(%dma_wait3A_486 : memref<100000x128xf32, #tpu.memory_space<hbm>>) dst(%dma_wait3A_480 : memref<128x128xf32, #tpu.memory_space<vmem>>)
      %add3A_487 = arith.constant 4 : i32
      %add3A_488 = arith.addi %mul3A_331, %add3A_487 : i32
      %mul3A_489 = arith.constant 1 : i32
      %mul3A_490 = arith.muli %add3A_488, %mul3A_489 : i32
      %add3A_491 = arith.addi %mul3A_2, %mul3A_490 : i32
      %mul3A_492 = arith.constant 128 : i32
      %mul3A_493 = arith.muli %add3A_491, %mul3A_492 : i32
      %dma_start3A_494 = arith.constant 4 : i32
      %dma_start3A_495 = arith.constant 0 : i32
      %dma_start3A_496 = arith.constant 0 : i32
      %dma_start3A_497 = tpu.memref_slice %arg6[%dma_start3A_494, %dma_start3A_495, %dma_start3A_496] : memref<5x128x128xf32, #tpu.memory_space<vmem>> -> memref<1x128x128xf32, #tpu.memory_space<vmem>>
      %dma_start3A_498 = tpu.memref_squeeze %dma_start3A_497 : memref<1x128x128xf32, #tpu.memory_space<vmem>> -> memref<128x128xf32, #tpu.memory_space<vmem>>
      %dma_start3A_499 = arith.constant 0 : i32
      %dma_start3A_500 = tpu.memref_slice %arg4[%mul3A_493, %dma_start3A_499] : memref<819200x128xf32, #tpu.memory_space<hbm>> -> memref<128x128xf32, #tpu.memory_space<hbm>>
      %dma_start3A_501 = arith.constant 0 : i32
      %dma_start3A_502 = tpu.memref_slice %arg4[%mul3A_493, %dma_start3A_501] : memref<819200x128xf32, #tpu.memory_space<hbm>> -> memref<128x128xf32, #tpu.memory_space<hbm>>
      %dma_start3A_503 = arith.constant 0 : i32
      %dma_start3A_504 = arith.constant 0 : i32
      %dma_start3A_505 = tpu.memref_slice %arg6[%dma_start3A_494, %dma_start3A_503, %dma_start3A_504] : memref<5x128x128xf32, #tpu.memory_space<vmem>> -> memref<1x128x128xf32, #tpu.memory_space<vmem>>
      %dma_start3A_506 = tpu.memref_squeeze %dma_start3A_505 : memref<1x128x128xf32, #tpu.memory_space<vmem>> -> memref<128x128xf32, #tpu.memory_space<vmem>>
      tpu.enqueue_dma source(%dma_start3A_506 : memref<128x128xf32, #tpu.memory_space<vmem>>) target(%dma_start3A_502 : memref<128x128xf32, #tpu.memory_space<hbm>>) target_semaphore(%arg16 : memref<!tpu.dma_semaphore, #tpu.memory_space<semaphore_mem>>)
      %add3A_507 = arith.constant 0 : i32
      %add3A_508 = arith.addi %mul3A_2, %add3A_507 : i32
      %mul3A_509 = arith.constant 128 : i32
      %mul3A_510 = arith.muli %add3A_508, %mul3A_509 : i32
      %dma_wait3A_511 = arith.constant 0 : i32
      %dma_wait3A_512 = arith.constant 0 : i32
      %dma_wait3A_513 = arith.constant 0 : i32
      %dma_wait3A_514 = tpu.memref_slice %arg6[%dma_wait3A_511, %dma_wait3A_512, %dma_wait3A_513] : memref<5x128x128xf32, #tpu.memory_space<vmem>> -> memref<1x128x128xf32, #tpu.memory_space<vmem>>
      %dma_wait3A_515 = tpu.memref_squeeze %dma_wait3A_514 : memref<1x128x128xf32, #tpu.memory_space<vmem>> -> memref<128x128xf32, #tpu.memory_space<vmem>>
      %dma_wait3A_516 = arith.constant 0 : i32
      %dma_wait3A_517 = tpu.memref_slice %arg4[%mul3A_510, %dma_wait3A_516] : memref<819200x128xf32, #tpu.memory_space<hbm>> -> memref<128x128xf32, #tpu.memory_space<hbm>>
      %dma_wait3A_518 = arith.constant 0 : i32
      %dma_wait3A_519 = tpu.memref_slice %arg4[%mul3A_510, %dma_wait3A_518] : memref<819200x128xf32, #tpu.memory_space<hbm>> -> memref<128x128xf32, #tpu.memory_space<hbm>>
      %dma_wait3A_520 = arith.constant 0 : i32
      %dma_wait3A_521 = arith.constant 0 : i32
      %dma_wait3A_522 = tpu.memref_slice %arg6[%dma_wait3A_511, %dma_wait3A_520, %dma_wait3A_521] : memref<5x128x128xf32, #tpu.memory_space<vmem>> -> memref<1x128x128xf32, #tpu.memory_space<vmem>>
      %dma_wait3A_523 = tpu.memref_squeeze %dma_wait3A_522 : memref<1x128x128xf32, #tpu.memory_space<vmem>> -> memref<128x128xf32, #tpu.memory_space<vmem>>
      tpu.wait_dma2 semaphore(%arg12 : memref<!tpu.dma_semaphore, #tpu.memory_space<semaphore_mem>>) src(%dma_wait3A_523 : memref<128x128xf32, #tpu.memory_space<vmem>>) dst(%dma_wait3A_519 : memref<128x128xf32, #tpu.memory_space<hbm>>)
      %add3A_524 = arith.constant 5 : i32
      %add3A_525 = arith.addi %mul3A_331, %add3A_524 : i32
      %add3A_526 = arith.constant 0 : i32
      %add3A_527 = arith.addi %add3A_525, %add3A_526 : i32
      %mul3A_528 = arith.constant 1 : i32
      %mul3A_529 = arith.muli %add3A_527, %mul3A_528 : i32
      %add3A_530 = arith.constant 0 : i32
      %add3A_531 = arith.addi %mul3A_529, %add3A_530 : i32
      %dma_start3A_532 = arith.constant 0 : i32
      %dma_start3A_533 = arith.constant 0 : i32
      %dma_start3A_534 = arith.constant 0 : i32
      %dma_start3A_535 = tpu.memref_slice %arg6[%dma_start3A_532, %dma_start3A_533, %dma_start3A_534] : memref<5x128x128xf32, #tpu.memory_space<vmem>> -> memref<1x128x128xf32, #tpu.memory_space<vmem>>
      %dma_start3A_536 = tpu.memref_squeeze %dma_start3A_535 : memref<1x128x128xf32, #tpu.memory_space<vmem>> -> memref<128x128xf32, #tpu.memory_space<vmem>>
      %dma_start3A_537 = arith.constant 0 : i32
      %dma_start3A_538 = arith.constant 0 : i32
      %dma_start3A_539 = tpu.memref_slice %dma_start3A_536[%dma_start3A_537, %dma_start3A_538] : memref<128x128xf32, #tpu.memory_space<vmem>> -> memref<128x128xf32, #tpu.memory_space<vmem>>
      %dma_start3A_540 = arith.constant 0 : i32
      %dma_start3A_541 = tpu.memref_slice %arg5[%add3A_531, %dma_start3A_540] : memref<200x128xi32, #tpu.memory_space<vmem>> -> memref<1x128xi32, #tpu.memory_space<vmem>>
      %dma_start3A_542 = tpu.memref_squeeze %dma_start3A_541 : memref<1x128xi32, #tpu.memory_space<vmem>> -> memref<128xi32, #tpu.memory_space<vmem>>
      %dma_start3A_543 = arith.constant 0 : i32
      %dma_start3A_544 = arith.constant 0 : i32
      %dma_start3A_545 = tpu.memref_slice %arg3[%dma_start3A_543, %dma_start3A_544] : memref<100000x128xf32, #tpu.memory_space<hbm>> -> memref<100000x128xf32, #tpu.memory_space<hbm>>
      tpu.enqueue_indirect_dma source(%dma_start3A_545 : memref<100000x128xf32, #tpu.memory_space<hbm>>) target(%dma_start3A_539 : memref<128x128xf32, #tpu.memory_space<vmem>>) offsets(%dma_start3A_542 : memref<128xi32, #tpu.memory_space<vmem>>) semaphore(%arg7 : memref<!tpu.dma_semaphore, #tpu.memory_space<semaphore_mem>>)
      %add3A_546 = arith.constant 0 : i32
      %add3A_547 = arith.addi %mul3A_2, %add3A_546 : i32
      %mul3A_548 = arith.constant 128 : i32
      %mul3A_549 = arith.muli %add3A_547, %mul3A_548 : i32
      %dma_wait3A_550 = arith.constant 1 : i32
      %dma_wait3A_551 = arith.constant 0 : i32
      %dma_wait3A_552 = arith.constant 0 : i32
      %dma_wait3A_553 = tpu.memref_slice %arg6[%dma_wait3A_550, %dma_wait3A_551, %dma_wait3A_552] : memref<5x128x128xf32, #tpu.memory_space<vmem>> -> memref<1x128x128xf32, #tpu.memory_space<vmem>>
      %dma_wait3A_554 = tpu.memref_squeeze %dma_wait3A_553 : memref<1x128x128xf32, #tpu.memory_space<vmem>> -> memref<128x128xf32, #tpu.memory_space<vmem>>
      %dma_wait3A_555 = arith.constant 0 : i32
      %dma_wait3A_556 = tpu.memref_slice %arg4[%mul3A_549, %dma_wait3A_555] : memref<819200x128xf32, #tpu.memory_space<hbm>> -> memref<128x128xf32, #tpu.memory_space<hbm>>
      %dma_wait3A_557 = arith.constant 0 : i32
      %dma_wait3A_558 = tpu.memref_slice %arg4[%mul3A_549, %dma_wait3A_557] : memref<819200x128xf32, #tpu.memory_space<hbm>> -> memref<128x128xf32, #tpu.memory_space<hbm>>
      %dma_wait3A_559 = arith.constant 0 : i32
      %dma_wait3A_560 = arith.constant 0 : i32
      %dma_wait3A_561 = tpu.memref_slice %arg6[%dma_wait3A_550, %dma_wait3A_559, %dma_wait3A_560] : memref<5x128x128xf32, #tpu.memory_space<vmem>> -> memref<1x128x128xf32, #tpu.memory_space<vmem>>
      %dma_wait3A_562 = tpu.memref_squeeze %dma_wait3A_561 : memref<1x128x128xf32, #tpu.memory_space<vmem>> -> memref<128x128xf32, #tpu.memory_space<vmem>>
      tpu.wait_dma2 semaphore(%arg13 : memref<!tpu.dma_semaphore, #tpu.memory_space<semaphore_mem>>) src(%dma_wait3A_562 : memref<128x128xf32, #tpu.memory_space<vmem>>) dst(%dma_wait3A_558 : memref<128x128xf32, #tpu.memory_space<hbm>>)
      %add3A_563 = arith.constant 5 : i32
      %add3A_564 = arith.addi %mul3A_331, %add3A_563 : i32
      %add3A_565 = arith.constant 1 : i32
      %add3A_566 = arith.addi %add3A_564, %add3A_565 : i32
      %mul3A_567 = arith.constant 1 : i32
      %mul3A_568 = arith.muli %add3A_566, %mul3A_567 : i32
      %add3A_569 = arith.constant 0 : i32
      %add3A_570 = arith.addi %mul3A_568, %add3A_569 : i32
      %dma_start3A_571 = arith.constant 1 : i32
      %dma_start3A_572 = arith.constant 0 : i32
      %dma_start3A_573 = arith.constant 0 : i32
      %dma_start3A_574 = tpu.memref_slice %arg6[%dma_start3A_571, %dma_start3A_572, %dma_start3A_573] : memref<5x128x128xf32, #tpu.memory_space<vmem>> -> memref<1x128x128xf32, #tpu.memory_space<vmem>>
      %dma_start3A_575 = tpu.memref_squeeze %dma_start3A_574 : memref<1x128x128xf32, #tpu.memory_space<vmem>> -> memref<128x128xf32, #tpu.memory_space<vmem>>
      %dma_start3A_576 = arith.constant 0 : i32
      %dma_start3A_577 = arith.constant 0 : i32
      %dma_start3A_578 = tpu.memref_slice %dma_start3A_575[%dma_start3A_576, %dma_start3A_577] : memref<128x128xf32, #tpu.memory_space<vmem>> -> memref<128x128xf32, #tpu.memory_space<vmem>>
      %dma_start3A_579 = arith.constant 0 : i32
      %dma_start3A_580 = tpu.memref_slice %arg5[%add3A_570, %dma_start3A_579] : memref<200x128xi32, #tpu.memory_space<vmem>> -> memref<1x128xi32, #tpu.memory_space<vmem>>
      %dma_start3A_581 = tpu.memref_squeeze %dma_start3A_580 : memref<1x128xi32, #tpu.memory_space<vmem>> -> memref<128xi32, #tpu.memory_space<vmem>>
      %dma_start3A_582 = arith.constant 0 : i32
      %dma_start3A_583 = arith.constant 0 : i32
      %dma_start3A_584 = tpu.memref_slice %arg3[%dma_start3A_582, %dma_start3A_583] : memref<100000x128xf32, #tpu.memory_space<hbm>> -> memref<100000x128xf32, #tpu.memory_space<hbm>>
      tpu.enqueue_indirect_dma source(%dma_start3A_584 : memref<100000x128xf32, #tpu.memory_space<hbm>>) target(%dma_start3A_578 : memref<128x128xf32, #tpu.memory_space<vmem>>) offsets(%dma_start3A_581 : memref<128xi32, #tpu.memory_space<vmem>>) semaphore(%arg8 : memref<!tpu.dma_semaphore, #tpu.memory_space<semaphore_mem>>)
      %add3A_585 = arith.constant 0 : i32
      %add3A_586 = arith.addi %mul3A_2, %add3A_585 : i32
      %mul3A_587 = arith.constant 128 : i32
      %mul3A_588 = arith.muli %add3A_586, %mul3A_587 : i32
      %dma_wait3A_589 = arith.constant 2 : i32
      %dma_wait3A_590 = arith.constant 0 : i32
      %dma_wait3A_591 = arith.constant 0 : i32
      %dma_wait3A_592 = tpu.memref_slice %arg6[%dma_wait3A_589, %dma_wait3A_590, %dma_wait3A_591] : memref<5x128x128xf32, #tpu.memory_space<vmem>> -> memref<1x128x128xf32, #tpu.memory_space<vmem>>
      %dma_wait3A_593 = tpu.memref_squeeze %dma_wait3A_592 : memref<1x128x128xf32, #tpu.memory_space<vmem>> -> memref<128x128xf32, #tpu.memory_space<vmem>>
      %dma_wait3A_594 = arith.constant 0 : i32
      %dma_wait3A_595 = tpu.memref_slice %arg4[%mul3A_588, %dma_wait3A_594] : memref<819200x128xf32, #tpu.memory_space<hbm>> -> memref<128x128xf32, #tpu.memory_space<hbm>>
      %dma_wait3A_596 = arith.constant 0 : i32
      %dma_wait3A_597 = tpu.memref_slice %arg4[%mul3A_588, %dma_wait3A_596] : memref<819200x128xf32, #tpu.memory_space<hbm>> -> memref<128x128xf32, #tpu.memory_space<hbm>>
      %dma_wait3A_598 = arith.constant 0 : i32
      %dma_wait3A_599 = arith.constant 0 : i32
      %dma_wait3A_600 = tpu.memref_slice %arg6[%dma_wait3A_589, %dma_wait3A_598, %dma_wait3A_599] : memref<5x128x128xf32, #tpu.memory_space<vmem>> -> memref<1x128x128xf32, #tpu.memory_space<vmem>>
      %dma_wait3A_601 = tpu.memref_squeeze %dma_wait3A_600 : memref<1x128x128xf32, #tpu.memory_space<vmem>> -> memref<128x128xf32, #tpu.memory_space<vmem>>
      tpu.wait_dma2 semaphore(%arg14 : memref<!tpu.dma_semaphore, #tpu.memory_space<semaphore_mem>>) src(%dma_wait3A_601 : memref<128x128xf32, #tpu.memory_space<vmem>>) dst(%dma_wait3A_597 : memref<128x128xf32, #tpu.memory_space<hbm>>)
      %add3A_602 = arith.constant 5 : i32
      %add3A_603 = arith.addi %mul3A_331, %add3A_602 : i32
      %add3A_604 = arith.constant 2 : i32
      %add3A_605 = arith.addi %add3A_603, %add3A_604 : i32
      %mul3A_606 = arith.constant 1 : i32
      %mul3A_607 = arith.muli %add3A_605, %mul3A_606 : i32
      %add3A_608 = arith.constant 0 : i32
      %add3A_609 = arith.addi %mul3A_607, %add3A_608 : i32
      %dma_start3A_610 = arith.constant 2 : i32
      %dma_start3A_611 = arith.constant 0 : i32
      %dma_start3A_612 = arith.constant 0 : i32
      %dma_start3A_613 = tpu.memref_slice %arg6[%dma_start3A_610, %dma_start3A_611, %dma_start3A_612] : memref<5x128x128xf32, #tpu.memory_space<vmem>> -> memref<1x128x128xf32, #tpu.memory_space<vmem>>
      %dma_start3A_614 = tpu.memref_squeeze %dma_start3A_613 : memref<1x128x128xf32, #tpu.memory_space<vmem>> -> memref<128x128xf32, #tpu.memory_space<vmem>>
      %dma_start3A_615 = arith.constant 0 : i32
      %dma_start3A_616 = arith.constant 0 : i32
      %dma_start3A_617 = tpu.memref_slice %dma_start3A_614[%dma_start3A_615, %dma_start3A_616] : memref<128x128xf32, #tpu.memory_space<vmem>> -> memref<128x128xf32, #tpu.memory_space<vmem>>
      %dma_start3A_618 = arith.constant 0 : i32
      %dma_start3A_619 = tpu.memref_slice %arg5[%add3A_609, %dma_start3A_618] : memref<200x128xi32, #tpu.memory_space<vmem>> -> memref<1x128xi32, #tpu.memory_space<vmem>>
      %dma_start3A_620 = tpu.memref_squeeze %dma_start3A_619 : memref<1x128xi32, #tpu.memory_space<vmem>> -> memref<128xi32, #tpu.memory_space<vmem>>
      %dma_start3A_621 = arith.constant 0 : i32
      %dma_start3A_622 = arith.constant 0 : i32
      %dma_start3A_623 = tpu.memref_slice %arg3[%dma_start3A_621, %dma_start3A_622] : memref<100000x128xf32, #tpu.memory_space<hbm>> -> memref<100000x128xf32, #tpu.memory_space<hbm>>
      tpu.enqueue_indirect_dma source(%dma_start3A_623 : memref<100000x128xf32, #tpu.memory_space<hbm>>) target(%dma_start3A_617 : memref<128x128xf32, #tpu.memory_space<vmem>>) offsets(%dma_start3A_620 : memref<128xi32, #tpu.memory_space<vmem>>) semaphore(%arg9 : memref<!tpu.dma_semaphore, #tpu.memory_space<semaphore_mem>>)
      %add3A_624 = arith.constant 0 : i32
      %add3A_625 = arith.addi %mul3A_2, %add3A_624 : i32
      %mul3A_626 = arith.constant 128 : i32
      %mul3A_627 = arith.muli %add3A_625, %mul3A_626 : i32
      %dma_wait3A_628 = arith.constant 3 : i32
      %dma_wait3A_629 = arith.constant 0 : i32
      %dma_wait3A_630 = arith.constant 0 : i32
      %dma_wait3A_631 = tpu.memref_slice %arg6[%dma_wait3A_628, %dma_wait3A_629, %dma_wait3A_630] : memref<5x128x128xf32, #tpu.memory_space<vmem>> -> memref<1x128x128xf32, #tpu.memory_space<vmem>>
      %dma_wait3A_632 = tpu.memref_squeeze %dma_wait3A_631 : memref<1x128x128xf32, #tpu.memory_space<vmem>> -> memref<128x128xf32, #tpu.memory_space<vmem>>
      %dma_wait3A_633 = arith.constant 0 : i32
      %dma_wait3A_634 = tpu.memref_slice %arg4[%mul3A_627, %dma_wait3A_633] : memref<819200x128xf32, #tpu.memory_space<hbm>> -> memref<128x128xf32, #tpu.memory_space<hbm>>
      %dma_wait3A_635 = arith.constant 0 : i32
      %dma_wait3A_636 = tpu.memref_slice %arg4[%mul3A_627, %dma_wait3A_635] : memref<819200x128xf32, #tpu.memory_space<hbm>> -> memref<128x128xf32, #tpu.memory_space<hbm>>
      %dma_wait3A_637 = arith.constant 0 : i32
      %dma_wait3A_638 = arith.constant 0 : i32
      %dma_wait3A_639 = tpu.memref_slice %arg6[%dma_wait3A_628, %dma_wait3A_637, %dma_wait3A_638] : memref<5x128x128xf32, #tpu.memory_space<vmem>> -> memref<1x128x128xf32, #tpu.memory_space<vmem>>
      %dma_wait3A_640 = tpu.memref_squeeze %dma_wait3A_639 : memref<1x128x128xf32, #tpu.memory_space<vmem>> -> memref<128x128xf32, #tpu.memory_space<vmem>>
      tpu.wait_dma2 semaphore(%arg15 : memref<!tpu.dma_semaphore, #tpu.memory_space<semaphore_mem>>) src(%dma_wait3A_640 : memref<128x128xf32, #tpu.memory_space<vmem>>) dst(%dma_wait3A_636 : memref<128x128xf32, #tpu.memory_space<hbm>>)
      %add3A_641 = arith.constant 5 : i32
      %add3A_642 = arith.addi %mul3A_331, %add3A_641 : i32
      %add3A_643 = arith.constant 3 : i32
      %add3A_644 = arith.addi %add3A_642, %add3A_643 : i32
      %mul3A_645 = arith.constant 1 : i32
      %mul3A_646 = arith.muli %add3A_644, %mul3A_645 : i32
      %add3A_647 = arith.constant 0 : i32
      %add3A_648 = arith.addi %mul3A_646, %add3A_647 : i32
      %dma_start3A_649 = arith.constant 3 : i32
      %dma_start3A_650 = arith.constant 0 : i32
      %dma_start3A_651 = arith.constant 0 : i32
      %dma_start3A_652 = tpu.memref_slice %arg6[%dma_start3A_649, %dma_start3A_650, %dma_start3A_651] : memref<5x128x128xf32, #tpu.memory_space<vmem>> -> memref<1x128x128xf32, #tpu.memory_space<vmem>>
      %dma_start3A_653 = tpu.memref_squeeze %dma_start3A_652 : memref<1x128x128xf32, #tpu.memory_space<vmem>> -> memref<128x128xf32, #tpu.memory_space<vmem>>
      %dma_start3A_654 = arith.constant 0 : i32
      %dma_start3A_655 = arith.constant 0 : i32
      %dma_start3A_656 = tpu.memref_slice %dma_start3A_653[%dma_start3A_654, %dma_start3A_655] : memref<128x128xf32, #tpu.memory_space<vmem>> -> memref<128x128xf32, #tpu.memory_space<vmem>>
      %dma_start3A_657 = arith.constant 0 : i32
      %dma_start3A_658 = tpu.memref_slice %arg5[%add3A_648, %dma_start3A_657] : memref<200x128xi32, #tpu.memory_space<vmem>> -> memref<1x128xi32, #tpu.memory_space<vmem>>
      %dma_start3A_659 = tpu.memref_squeeze %dma_start3A_658 : memref<1x128xi32, #tpu.memory_space<vmem>> -> memref<128xi32, #tpu.memory_space<vmem>>
      %dma_start3A_660 = arith.constant 0 : i32
      %dma_start3A_661 = arith.constant 0 : i32
      %dma_start3A_662 = tpu.memref_slice %arg3[%dma_start3A_660, %dma_start3A_661] : memref<100000x128xf32, #tpu.memory_space<hbm>> -> memref<100000x128xf32, #tpu.memory_space<hbm>>
      tpu.enqueue_indirect_dma source(%dma_start3A_662 : memref<100000x128xf32, #tpu.memory_space<hbm>>) target(%dma_start3A_656 : memref<128x128xf32, #tpu.memory_space<vmem>>) offsets(%dma_start3A_659 : memref<128xi32, #tpu.memory_space<vmem>>) semaphore(%arg10 : memref<!tpu.dma_semaphore, #tpu.memory_space<semaphore_mem>>)
      %add3A_663 = arith.constant 0 : i32
      %add3A_664 = arith.addi %mul3A_2, %add3A_663 : i32
      %mul3A_665 = arith.constant 128 : i32
      %mul3A_666 = arith.muli %add3A_664, %mul3A_665 : i32
      %dma_wait3A_667 = arith.constant 4 : i32
      %dma_wait3A_668 = arith.constant 0 : i32
      %dma_wait3A_669 = arith.constant 0 : i32
      %dma_wait3A_670 = tpu.memref_slice %arg6[%dma_wait3A_667, %dma_wait3A_668, %dma_wait3A_669] : memref<5x128x128xf32, #tpu.memory_space<vmem>> -> memref<1x128x128xf32, #tpu.memory_space<vmem>>
      %dma_wait3A_671 = tpu.memref_squeeze %dma_wait3A_670 : memref<1x128x128xf32, #tpu.memory_space<vmem>> -> memref<128x128xf32, #tpu.memory_space<vmem>>
      %dma_wait3A_672 = arith.constant 0 : i32
      %dma_wait3A_673 = tpu.memref_slice %arg4[%mul3A_666, %dma_wait3A_672] : memref<819200x128xf32, #tpu.memory_space<hbm>> -> memref<128x128xf32, #tpu.memory_space<hbm>>
      %dma_wait3A_674 = arith.constant 0 : i32
      %dma_wait3A_675 = tpu.memref_slice %arg4[%mul3A_666, %dma_wait3A_674] : memref<819200x128xf32, #tpu.memory_space<hbm>> -> memref<128x128xf32, #tpu.memory_space<hbm>>
      %dma_wait3A_676 = arith.constant 0 : i32
      %dma_wait3A_677 = arith.constant 0 : i32
      %dma_wait3A_678 = tpu.memref_slice %arg6[%dma_wait3A_667, %dma_wait3A_676, %dma_wait3A_677] : memref<5x128x128xf32, #tpu.memory_space<vmem>> -> memref<1x128x128xf32, #tpu.memory_space<vmem>>
      %dma_wait3A_679 = tpu.memref_squeeze %dma_wait3A_678 : memref<1x128x128xf32, #tpu.memory_space<vmem>> -> memref<128x128xf32, #tpu.memory_space<vmem>>
      tpu.wait_dma2 semaphore(%arg16 : memref<!tpu.dma_semaphore, #tpu.memory_space<semaphore_mem>>) src(%dma_wait3A_679 : memref<128x128xf32, #tpu.memory_space<vmem>>) dst(%dma_wait3A_675 : memref<128x128xf32, #tpu.memory_space<hbm>>)
      %add3A_680 = arith.constant 5 : i32
      %add3A_681 = arith.addi %mul3A_331, %add3A_680 : i32
      %add3A_682 = arith.constant 4 : i32
      %add3A_683 = arith.addi %add3A_681, %add3A_682 : i32
      %mul3A_684 = arith.constant 1 : i32
      %mul3A_685 = arith.muli %add3A_683, %mul3A_684 : i32
      %add3A_686 = arith.constant 0 : i32
      %add3A_687 = arith.addi %mul3A_685, %add3A_686 : i32
      %dma_start3A_688 = arith.constant 4 : i32
      %dma_start3A_689 = arith.constant 0 : i32
      %dma_start3A_690 = arith.constant 0 : i32
      %dma_start3A_691 = tpu.memref_slice %arg6[%dma_start3A_688, %dma_start3A_689, %dma_start3A_690] : memref<5x128x128xf32, #tpu.memory_space<vmem>> -> memref<1x128x128xf32, #tpu.memory_space<vmem>>
      %dma_start3A_692 = tpu.memref_squeeze %dma_start3A_691 : memref<1x128x128xf32, #tpu.memory_space<vmem>> -> memref<128x128xf32, #tpu.memory_space<vmem>>
      %dma_start3A_693 = arith.constant 0 : i32
      %dma_start3A_694 = arith.constant 0 : i32
      %dma_start3A_695 = tpu.memref_slice %dma_start3A_692[%dma_start3A_693, %dma_start3A_694] : memref<128x128xf32, #tpu.memory_space<vmem>> -> memref<128x128xf32, #tpu.memory_space<vmem>>
      %dma_start3A_696 = arith.constant 0 : i32
      %dma_start3A_697 = tpu.memref_slice %arg5[%add3A_687, %dma_start3A_696] : memref<200x128xi32, #tpu.memory_space<vmem>> -> memref<1x128xi32, #tpu.memory_space<vmem>>
      %dma_start3A_698 = tpu.memref_squeeze %dma_start3A_697 : memref<1x128xi32, #tpu.memory_space<vmem>> -> memref<128xi32, #tpu.memory_space<vmem>>
      %dma_start3A_699 = arith.constant 0 : i32
      %dma_start3A_700 = arith.constant 0 : i32
      %dma_start3A_701 = tpu.memref_slice %arg3[%dma_start3A_699, %dma_start3A_700] : memref<100000x128xf32, #tpu.memory_space<hbm>> -> memref<100000x128xf32, #tpu.memory_space<hbm>>
      tpu.enqueue_indirect_dma source(%dma_start3A_701 : memref<100000x128xf32, #tpu.memory_space<hbm>>) target(%dma_start3A_695 : memref<128x128xf32, #tpu.memory_space<vmem>>) offsets(%dma_start3A_698 : memref<128xi32, #tpu.memory_space<vmem>>) semaphore(%arg11 : memref<!tpu.dma_semaphore, #tpu.memory_space<semaphore_mem>>)
    }
    %scan3A_80 = arith.constant 39 : i32
    %dma_wait3A = arith.constant 0 : i32
    %dma_wait3A_81 = arith.constant 0 : i32
    %dma_wait3A_82 = arith.constant 0 : i32
    %dma_wait3A_83 = arith.constant 0 : i32
    %dma_wait3A_84 = tpu.memref_slice %arg6[%dma_wait3A_81, %dma_wait3A_82, %dma_wait3A_83] : memref<5x128x128xf32, #tpu.memory_space<vmem>> -> memref<1x128x128xf32, #tpu.memory_space<vmem>>
    %dma_wait3A_85 = tpu.memref_squeeze %dma_wait3A_84 : memref<1x128x128xf32, #tpu.memory_space<vmem>> -> memref<128x128xf32, #tpu.memory_space<vmem>>
    %dma_wait3A_86 = arith.constant 0 : i32
    %dma_wait3A_87 = arith.constant 0 : i32
    %dma_wait3A_88 = tpu.memref_slice %dma_wait3A_85[%dma_wait3A_86, %dma_wait3A_87] : memref<128x128xf32, #tpu.memory_space<vmem>> -> memref<128x128xf32, #tpu.memory_space<vmem>>
    %dma_wait3A_89 = arith.constant 0 : i32
    %dma_wait3A_90 = tpu.memref_slice %arg5[%dma_wait3A, %dma_wait3A_89] : memref<200x128xi32, #tpu.memory_space<vmem>> -> memref<1x128xi32, #tpu.memory_space<vmem>>
    %dma_wait3A_91 = tpu.memref_squeeze %dma_wait3A_90 : memref<1x128xi32, #tpu.memory_space<vmem>> -> memref<128xi32, #tpu.memory_space<vmem>>
    %dma_wait3A_92 = arith.constant 0 : i32
    %dma_wait3A_93 = arith.constant 0 : i32
    %dma_wait3A_94 = tpu.memref_slice %arg3[%dma_wait3A_92, %dma_wait3A_93] : memref<100000x128xf32, #tpu.memory_space<hbm>> -> memref<100000x128xf32, #tpu.memory_space<hbm>>
    tpu.wait_indirect_dma semaphore(%arg7 : memref<!tpu.dma_semaphore, #tpu.memory_space<semaphore_mem>>) src(%dma_wait3A_94 : memref<100000x128xf32, #tpu.memory_space<hbm>>) dst(%dma_wait3A_88 : memref<128x128xf32, #tpu.memory_space<vmem>>)
    %add3A_95 = arith.constant 195 : i32
    %add3A_96 = arith.addi %mul3A_2, %add3A_95 : i32
    %mul3A_97 = arith.constant 128 : i32
    %mul3A_98 = arith.muli %add3A_96, %mul3A_97 : i32
    %dma_start3A_99 = arith.constant 0 : i32
    %dma_start3A_100 = arith.constant 0 : i32
    %dma_start3A_101 = arith.constant 0 : i32
    %dma_start3A_102 = tpu.memref_slice %arg6[%dma_start3A_99, %dma_start3A_100, %dma_start3A_101] : memref<5x128x128xf32, #tpu.memory_space<vmem>> -> memref<1x128x128xf32, #tpu.memory_space<vmem>>
    %dma_start3A_103 = tpu.memref_squeeze %dma_start3A_102 : memref<1x128x128xf32, #tpu.memory_space<vmem>> -> memref<128x128xf32, #tpu.memory_space<vmem>>
    %dma_start3A_104 = arith.constant 0 : i32
    %dma_start3A_105 = tpu.memref_slice %arg4[%mul3A_98, %dma_start3A_104] : memref<819200x128xf32, #tpu.memory_space<hbm>> -> memref<128x128xf32, #tpu.memory_space<hbm>>
    %dma_start3A_106 = arith.constant 0 : i32
    %dma_start3A_107 = tpu.memref_slice %arg4[%mul3A_98, %dma_start3A_106] : memref<819200x128xf32, #tpu.memory_space<hbm>> -> memref<128x128xf32, #tpu.memory_space<hbm>>
    %dma_start3A_108 = arith.constant 0 : i32
    %dma_start3A_109 = arith.constant 0 : i32
    %dma_start3A_110 = tpu.memref_slice %arg6[%dma_start3A_99, %dma_start3A_108, %dma_start3A_109] : memref<5x128x128xf32, #tpu.memory_space<vmem>> -> memref<1x128x128xf32, #tpu.memory_space<vmem>>
    %dma_start3A_111 = tpu.memref_squeeze %dma_start3A_110 : memref<1x128x128xf32, #tpu.memory_space<vmem>> -> memref<128x128xf32, #tpu.memory_space<vmem>>
    tpu.enqueue_dma source(%dma_start3A_111 : memref<128x128xf32, #tpu.memory_space<vmem>>) target(%dma_start3A_107 : memref<128x128xf32, #tpu.memory_space<hbm>>) target_semaphore(%arg12 : memref<!tpu.dma_semaphore, #tpu.memory_space<semaphore_mem>>)
    %dma_wait3A_112 = arith.constant 0 : i32
    %dma_wait3A_113 = arith.constant 1 : i32
    %dma_wait3A_114 = arith.constant 0 : i32
    %dma_wait3A_115 = arith.constant 0 : i32
    %dma_wait3A_116 = tpu.memref_slice %arg6[%dma_wait3A_113, %dma_wait3A_114, %dma_wait3A_115] : memref<5x128x128xf32, #tpu.memory_space<vmem>> -> memref<1x128x128xf32, #tpu.memory_space<vmem>>
    %dma_wait3A_117 = tpu.memref_squeeze %dma_wait3A_116 : memref<1x128x128xf32, #tpu.memory_space<vmem>> -> memref<128x128xf32, #tpu.memory_space<vmem>>
    %dma_wait3A_118 = arith.constant 0 : i32
    %dma_wait3A_119 = arith.constant 0 : i32
    %dma_wait3A_120 = tpu.memref_slice %dma_wait3A_117[%dma_wait3A_118, %dma_wait3A_119] : memref<128x128xf32, #tpu.memory_space<vmem>> -> memref<128x128xf32, #tpu.memory_space<vmem>>
    %dma_wait3A_121 = arith.constant 0 : i32
    %dma_wait3A_122 = tpu.memref_slice %arg5[%dma_wait3A_112, %dma_wait3A_121] : memref<200x128xi32, #tpu.memory_space<vmem>> -> memref<1x128xi32, #tpu.memory_space<vmem>>
    %dma_wait3A_123 = tpu.memref_squeeze %dma_wait3A_122 : memref<1x128xi32, #tpu.memory_space<vmem>> -> memref<128xi32, #tpu.memory_space<vmem>>
    %dma_wait3A_124 = arith.constant 0 : i32
    %dma_wait3A_125 = arith.constant 0 : i32
    %dma_wait3A_126 = tpu.memref_slice %arg3[%dma_wait3A_124, %dma_wait3A_125] : memref<100000x128xf32, #tpu.memory_space<hbm>> -> memref<100000x128xf32, #tpu.memory_space<hbm>>
    tpu.wait_indirect_dma semaphore(%arg8 : memref<!tpu.dma_semaphore, #tpu.memory_space<semaphore_mem>>) src(%dma_wait3A_126 : memref<100000x128xf32, #tpu.memory_space<hbm>>) dst(%dma_wait3A_120 : memref<128x128xf32, #tpu.memory_space<vmem>>)
    %add3A_127 = arith.constant 196 : i32
    %add3A_128 = arith.addi %mul3A_2, %add3A_127 : i32
    %mul3A_129 = arith.constant 128 : i32
    %mul3A_130 = arith.muli %add3A_128, %mul3A_129 : i32
    %dma_start3A_131 = arith.constant 1 : i32
    %dma_start3A_132 = arith.constant 0 : i32
    %dma_start3A_133 = arith.constant 0 : i32
    %dma_start3A_134 = tpu.memref_slice %arg6[%dma_start3A_131, %dma_start3A_132, %dma_start3A_133] : memref<5x128x128xf32, #tpu.memory_space<vmem>> -> memref<1x128x128xf32, #tpu.memory_space<vmem>>
    %dma_start3A_135 = tpu.memref_squeeze %dma_start3A_134 : memref<1x128x128xf32, #tpu.memory_space<vmem>> -> memref<128x128xf32, #tpu.memory_space<vmem>>
    %dma_start3A_136 = arith.constant 0 : i32
    %dma_start3A_137 = tpu.memref_slice %arg4[%mul3A_130, %dma_start3A_136] : memref<819200x128xf32, #tpu.memory_space<hbm>> -> memref<128x128xf32, #tpu.memory_space<hbm>>
    %dma_start3A_138 = arith.constant 0 : i32
    %dma_start3A_139 = tpu.memref_slice %arg4[%mul3A_130, %dma_start3A_138] : memref<819200x128xf32, #tpu.memory_space<hbm>> -> memref<128x128xf32, #tpu.memory_space<hbm>>
    %dma_start3A_140 = arith.constant 0 : i32
    %dma_start3A_141 = arith.constant 0 : i32
    %dma_start3A_142 = tpu.memref_slice %arg6[%dma_start3A_131, %dma_start3A_140, %dma_start3A_141] : memref<5x128x128xf32, #tpu.memory_space<vmem>> -> memref<1x128x128xf32, #tpu.memory_space<vmem>>
    %dma_start3A_143 = tpu.memref_squeeze %dma_start3A_142 : memref<1x128x128xf32, #tpu.memory_space<vmem>> -> memref<128x128xf32, #tpu.memory_space<vmem>>
    tpu.enqueue_dma source(%dma_start3A_143 : memref<128x128xf32, #tpu.memory_space<vmem>>) target(%dma_start3A_139 : memref<128x128xf32, #tpu.memory_space<hbm>>) target_semaphore(%arg13 : memref<!tpu.dma_semaphore, #tpu.memory_space<semaphore_mem>>)
    %dma_wait3A_144 = arith.constant 0 : i32
    %dma_wait3A_145 = arith.constant 2 : i32
    %dma_wait3A_146 = arith.constant 0 : i32
    %dma_wait3A_147 = arith.constant 0 : i32
    %dma_wait3A_148 = tpu.memref_slice %arg6[%dma_wait3A_145, %dma_wait3A_146, %dma_wait3A_147] : memref<5x128x128xf32, #tpu.memory_space<vmem>> -> memref<1x128x128xf32, #tpu.memory_space<vmem>>
    %dma_wait3A_149 = tpu.memref_squeeze %dma_wait3A_148 : memref<1x128x128xf32, #tpu.memory_space<vmem>> -> memref<128x128xf32, #tpu.memory_space<vmem>>
    %dma_wait3A_150 = arith.constant 0 : i32
    %dma_wait3A_151 = arith.constant 0 : i32
    %dma_wait3A_152 = tpu.memref_slice %dma_wait3A_149[%dma_wait3A_150, %dma_wait3A_151] : memref<128x128xf32, #tpu.memory_space<vmem>> -> memref<128x128xf32, #tpu.memory_space<vmem>>
    %dma_wait3A_153 = arith.constant 0 : i32
    %dma_wait3A_154 = tpu.memref_slice %arg5[%dma_wait3A_144, %dma_wait3A_153] : memref<200x128xi32, #tpu.memory_space<vmem>> -> memref<1x128xi32, #tpu.memory_space<vmem>>
    %dma_wait3A_155 = tpu.memref_squeeze %dma_wait3A_154 : memref<1x128xi32, #tpu.memory_space<vmem>> -> memref<128xi32, #tpu.memory_space<vmem>>
    %dma_wait3A_156 = arith.constant 0 : i32
    %dma_wait3A_157 = arith.constant 0 : i32
    %dma_wait3A_158 = tpu.memref_slice %arg3[%dma_wait3A_156, %dma_wait3A_157] : memref<100000x128xf32, #tpu.memory_space<hbm>> -> memref<100000x128xf32, #tpu.memory_space<hbm>>
    tpu.wait_indirect_dma semaphore(%arg9 : memref<!tpu.dma_semaphore, #tpu.memory_space<semaphore_mem>>) src(%dma_wait3A_158 : memref<100000x128xf32, #tpu.memory_space<hbm>>) dst(%dma_wait3A_152 : memref<128x128xf32, #tpu.memory_space<vmem>>)
    %add3A_159 = arith.constant 197 : i32
    %add3A_160 = arith.addi %mul3A_2, %add3A_159 : i32
    %mul3A_161 = arith.constant 128 : i32
    %mul3A_162 = arith.muli %add3A_160, %mul3A_161 : i32
    %dma_start3A_163 = arith.constant 2 : i32
    %dma_start3A_164 = arith.constant 0 : i32
    %dma_start3A_165 = arith.constant 0 : i32
    %dma_start3A_166 = tpu.memref_slice %arg6[%dma_start3A_163, %dma_start3A_164, %dma_start3A_165] : memref<5x128x128xf32, #tpu.memory_space<vmem>> -> memref<1x128x128xf32, #tpu.memory_space<vmem>>
    %dma_start3A_167 = tpu.memref_squeeze %dma_start3A_166 : memref<1x128x128xf32, #tpu.memory_space<vmem>> -> memref<128x128xf32, #tpu.memory_space<vmem>>
    %dma_start3A_168 = arith.constant 0 : i32
    %dma_start3A_169 = tpu.memref_slice %arg4[%mul3A_162, %dma_start3A_168] : memref<819200x128xf32, #tpu.memory_space<hbm>> -> memref<128x128xf32, #tpu.memory_space<hbm>>
    %dma_start3A_170 = arith.constant 0 : i32
    %dma_start3A_171 = tpu.memref_slice %arg4[%mul3A_162, %dma_start3A_170] : memref<819200x128xf32, #tpu.memory_space<hbm>> -> memref<128x128xf32, #tpu.memory_space<hbm>>
    %dma_start3A_172 = arith.constant 0 : i32
    %dma_start3A_173 = arith.constant 0 : i32
    %dma_start3A_174 = tpu.memref_slice %arg6[%dma_start3A_163, %dma_start3A_172, %dma_start3A_173] : memref<5x128x128xf32, #tpu.memory_space<vmem>> -> memref<1x128x128xf32, #tpu.memory_space<vmem>>
    %dma_start3A_175 = tpu.memref_squeeze %dma_start3A_174 : memref<1x128x128xf32, #tpu.memory_space<vmem>> -> memref<128x128xf32, #tpu.memory_space<vmem>>
    tpu.enqueue_dma source(%dma_start3A_175 : memref<128x128xf32, #tpu.memory_space<vmem>>) target(%dma_start3A_171 : memref<128x128xf32, #tpu.memory_space<hbm>>) target_semaphore(%arg14 : memref<!tpu.dma_semaphore, #tpu.memory_space<semaphore_mem>>)
    %dma_wait3A_176 = arith.constant 0 : i32
    %dma_wait3A_177 = arith.constant 3 : i32
    %dma_wait3A_178 = arith.constant 0 : i32
    %dma_wait3A_179 = arith.constant 0 : i32
    %dma_wait3A_180 = tpu.memref_slice %arg6[%dma_wait3A_177, %dma_wait3A_178, %dma_wait3A_179] : memref<5x128x128xf32, #tpu.memory_space<vmem>> -> memref<1x128x128xf32, #tpu.memory_space<vmem>>
    %dma_wait3A_181 = tpu.memref_squeeze %dma_wait3A_180 : memref<1x128x128xf32, #tpu.memory_space<vmem>> -> memref<128x128xf32, #tpu.memory_space<vmem>>
    %dma_wait3A_182 = arith.constant 0 : i32
    %dma_wait3A_183 = arith.constant 0 : i32
    %dma_wait3A_184 = tpu.memref_slice %dma_wait3A_181[%dma_wait3A_182, %dma_wait3A_183] : memref<128x128xf32, #tpu.memory_space<vmem>> -> memref<128x128xf32, #tpu.memory_space<vmem>>
    %dma_wait3A_185 = arith.constant 0 : i32
    %dma_wait3A_186 = tpu.memref_slice %arg5[%dma_wait3A_176, %dma_wait3A_185] : memref<200x128xi32, #tpu.memory_space<vmem>> -> memref<1x128xi32, #tpu.memory_space<vmem>>
    %dma_wait3A_187 = tpu.memref_squeeze %dma_wait3A_186 : memref<1x128xi32, #tpu.memory_space<vmem>> -> memref<128xi32, #tpu.memory_space<vmem>>
    %dma_wait3A_188 = arith.constant 0 : i32
    %dma_wait3A_189 = arith.constant 0 : i32
    %dma_wait3A_190 = tpu.memref_slice %arg3[%dma_wait3A_188, %dma_wait3A_189] : memref<100000x128xf32, #tpu.memory_space<hbm>> -> memref<100000x128xf32, #tpu.memory_space<hbm>>
    tpu.wait_indirect_dma semaphore(%arg10 : memref<!tpu.dma_semaphore, #tpu.memory_space<semaphore_mem>>) src(%dma_wait3A_190 : memref<100000x128xf32, #tpu.memory_space<hbm>>) dst(%dma_wait3A_184 : memref<128x128xf32, #tpu.memory_space<vmem>>)
    %add3A_191 = arith.constant 198 : i32
    %add3A_192 = arith.addi %mul3A_2, %add3A_191 : i32
    %mul3A_193 = arith.constant 128 : i32
    %mul3A_194 = arith.muli %add3A_192, %mul3A_193 : i32
    %dma_start3A_195 = arith.constant 3 : i32
    %dma_start3A_196 = arith.constant 0 : i32
    %dma_start3A_197 = arith.constant 0 : i32
    %dma_start3A_198 = tpu.memref_slice %arg6[%dma_start3A_195, %dma_start3A_196, %dma_start3A_197] : memref<5x128x128xf32, #tpu.memory_space<vmem>> -> memref<1x128x128xf32, #tpu.memory_space<vmem>>
    %dma_start3A_199 = tpu.memref_squeeze %dma_start3A_198 : memref<1x128x128xf32, #tpu.memory_space<vmem>> -> memref<128x128xf32, #tpu.memory_space<vmem>>
    %dma_start3A_200 = arith.constant 0 : i32
    %dma_start3A_201 = tpu.memref_slice %arg4[%mul3A_194, %dma_start3A_200] : memref<819200x128xf32, #tpu.memory_space<hbm>> -> memref<128x128xf32, #tpu.memory_space<hbm>>
    %dma_start3A_202 = arith.constant 0 : i32
    %dma_start3A_203 = tpu.memref_slice %arg4[%mul3A_194, %dma_start3A_202] : memref<819200x128xf32, #tpu.memory_space<hbm>> -> memref<128x128xf32, #tpu.memory_space<hbm>>
    %dma_start3A_204 = arith.constant 0 : i32
    %dma_start3A_205 = arith.constant 0 : i32
    %dma_start3A_206 = tpu.memref_slice %arg6[%dma_start3A_195, %dma_start3A_204, %dma_start3A_205] : memref<5x128x128xf32, #tpu.memory_space<vmem>> -> memref<1x128x128xf32, #tpu.memory_space<vmem>>
    %dma_start3A_207 = tpu.memref_squeeze %dma_start3A_206 : memref<1x128x128xf32, #tpu.memory_space<vmem>> -> memref<128x128xf32, #tpu.memory_space<vmem>>
    tpu.enqueue_dma source(%dma_start3A_207 : memref<128x128xf32, #tpu.memory_space<vmem>>) target(%dma_start3A_203 : memref<128x128xf32, #tpu.memory_space<hbm>>) target_semaphore(%arg15 : memref<!tpu.dma_semaphore, #tpu.memory_space<semaphore_mem>>)
    %dma_wait3A_208 = arith.constant 0 : i32
    %dma_wait3A_209 = arith.constant 4 : i32
    %dma_wait3A_210 = arith.constant 0 : i32
    %dma_wait3A_211 = arith.constant 0 : i32
    %dma_wait3A_212 = tpu.memref_slice %arg6[%dma_wait3A_209, %dma_wait3A_210, %dma_wait3A_211] : memref<5x128x128xf32, #tpu.memory_space<vmem>> -> memref<1x128x128xf32, #tpu.memory_space<vmem>>
    %dma_wait3A_213 = tpu.memref_squeeze %dma_wait3A_212 : memref<1x128x128xf32, #tpu.memory_space<vmem>> -> memref<128x128xf32, #tpu.memory_space<vmem>>
    %dma_wait3A_214 = arith.constant 0 : i32
    %dma_wait3A_215 = arith.constant 0 : i32
    %dma_wait3A_216 = tpu.memref_slice %dma_wait3A_213[%dma_wait3A_214, %dma_wait3A_215] : memref<128x128xf32, #tpu.memory_space<vmem>> -> memref<128x128xf32, #tpu.memory_space<vmem>>
    %dma_wait3A_217 = arith.constant 0 : i32
    %dma_wait3A_218 = tpu.memref_slice %arg5[%dma_wait3A_208, %dma_wait3A_217] : memref<200x128xi32, #tpu.memory_space<vmem>> -> memref<1x128xi32, #tpu.memory_space<vmem>>
    %dma_wait3A_219 = tpu.memref_squeeze %dma_wait3A_218 : memref<1x128xi32, #tpu.memory_space<vmem>> -> memref<128xi32, #tpu.memory_space<vmem>>
    %dma_wait3A_220 = arith.constant 0 : i32
    %dma_wait3A_221 = arith.constant 0 : i32
    %dma_wait3A_222 = tpu.memref_slice %arg3[%dma_wait3A_220, %dma_wait3A_221] : memref<100000x128xf32, #tpu.memory_space<hbm>> -> memref<100000x128xf32, #tpu.memory_space<hbm>>
    tpu.wait_indirect_dma semaphore(%arg11 : memref<!tpu.dma_semaphore, #tpu.memory_space<semaphore_mem>>) src(%dma_wait3A_222 : memref<100000x128xf32, #tpu.memory_space<hbm>>) dst(%dma_wait3A_216 : memref<128x128xf32, #tpu.memory_space<vmem>>)
    %add3A_223 = arith.constant 199 : i32
    %add3A_224 = arith.addi %mul3A_2, %add3A_223 : i32
    %mul3A_225 = arith.constant 128 : i32
    %mul3A_226 = arith.muli %add3A_224, %mul3A_225 : i32
    %dma_start3A_227 = arith.constant 4 : i32
    %dma_start3A_228 = arith.constant 0 : i32
    %dma_start3A_229 = arith.constant 0 : i32
    %dma_start3A_230 = tpu.memref_slice %arg6[%dma_start3A_227, %dma_start3A_228, %dma_start3A_229] : memref<5x128x128xf32, #tpu.memory_space<vmem>> -> memref<1x128x128xf32, #tpu.memory_space<vmem>>
    %dma_start3A_231 = tpu.memref_squeeze %dma_start3A_230 : memref<1x128x128xf32, #tpu.memory_space<vmem>> -> memref<128x128xf32, #tpu.memory_space<vmem>>
    %dma_start3A_232 = arith.constant 0 : i32
    %dma_start3A_233 = tpu.memref_slice %arg4[%mul3A_226, %dma_start3A_232] : memref<819200x128xf32, #tpu.memory_space<hbm>> -> memref<128x128xf32, #tpu.memory_space<hbm>>
    %dma_start3A_234 = arith.constant 0 : i32
    %dma_start3A_235 = tpu.memref_slice %arg4[%mul3A_226, %dma_start3A_234] : memref<819200x128xf32, #tpu.memory_space<hbm>> -> memref<128x128xf32, #tpu.memory_space<hbm>>
    %dma_start3A_236 = arith.constant 0 : i32
    %dma_start3A_237 = arith.constant 0 : i32
    %dma_start3A_238 = tpu.memref_slice %arg6[%dma_start3A_227, %dma_start3A_236, %dma_start3A_237] : memref<5x128x128xf32, #tpu.memory_space<vmem>> -> memref<1x128x128xf32, #tpu.memory_space<vmem>>
    %dma_start3A_239 = tpu.memref_squeeze %dma_start3A_238 : memref<1x128x128xf32, #tpu.memory_space<vmem>> -> memref<128x128xf32, #tpu.memory_space<vmem>>
    tpu.enqueue_dma source(%dma_start3A_239 : memref<128x128xf32, #tpu.memory_space<vmem>>) target(%dma_start3A_235 : memref<128x128xf32, #tpu.memory_space<hbm>>) target_semaphore(%arg16 : memref<!tpu.dma_semaphore, #tpu.memory_space<semaphore_mem>>)
    %add3A_240 = arith.constant 0 : i32
    %add3A_241 = arith.addi %mul3A_2, %add3A_240 : i32
    %mul3A_242 = arith.constant 128 : i32
    %mul3A_243 = arith.muli %add3A_241, %mul3A_242 : i32
    %dma_wait3A_244 = arith.constant 0 : i32
    %dma_wait3A_245 = arith.constant 0 : i32
    %dma_wait3A_246 = arith.constant 0 : i32
    %dma_wait3A_247 = tpu.memref_slice %arg6[%dma_wait3A_244, %dma_wait3A_245, %dma_wait3A_246] : memref<5x128x128xf32, #tpu.memory_space<vmem>> -> memref<1x128x128xf32, #tpu.memory_space<vmem>>
    %dma_wait3A_248 = tpu.memref_squeeze %dma_wait3A_247 : memref<1x128x128xf32, #tpu.memory_space<vmem>> -> memref<128x128xf32, #tpu.memory_space<vmem>>
    %dma_wait3A_249 = arith.constant 0 : i32
    %dma_wait3A_250 = tpu.memref_slice %arg4[%mul3A_243, %dma_wait3A_249] : memref<819200x128xf32, #tpu.memory_space<hbm>> -> memref<128x128xf32, #tpu.memory_space<hbm>>
    %dma_wait3A_251 = arith.constant 0 : i32
    %dma_wait3A_252 = tpu.memref_slice %arg4[%mul3A_243, %dma_wait3A_251] : memref<819200x128xf32, #tpu.memory_space<hbm>> -> memref<128x128xf32, #tpu.memory_space<hbm>>
    %dma_wait3A_253 = arith.constant 0 : i32
    %dma_wait3A_254 = arith.constant 0 : i32
    %dma_wait3A_255 = tpu.memref_slice %arg6[%dma_wait3A_244, %dma_wait3A_253, %dma_wait3A_254] : memref<5x128x128xf32, #tpu.memory_space<vmem>> -> memref<1x128x128xf32, #tpu.memory_space<vmem>>
    %dma_wait3A_256 = tpu.memref_squeeze %dma_wait3A_255 : memref<1x128x128xf32, #tpu.memory_space<vmem>> -> memref<128x128xf32, #tpu.memory_space<vmem>>
    tpu.wait_dma2 semaphore(%arg12 : memref<!tpu.dma_semaphore, #tpu.memory_space<semaphore_mem>>) src(%dma_wait3A_256 : memref<128x128xf32, #tpu.memory_space<vmem>>) dst(%dma_wait3A_252 : memref<128x128xf32, #tpu.memory_space<hbm>>)
    %add3A_257 = arith.constant 0 : i32
    %add3A_258 = arith.addi %mul3A_2, %add3A_257 : i32
    %mul3A_259 = arith.constant 128 : i32
    %mul3A_260 = arith.muli %add3A_258, %mul3A_259 : i32
    %dma_wait3A_261 = arith.constant 1 : i32
    %dma_wait3A_262 = arith.constant 0 : i32
    %dma_wait3A_263 = arith.constant 0 : i32
    %dma_wait3A_264 = tpu.memref_slice %arg6[%dma_wait3A_261, %dma_wait3A_262, %dma_wait3A_263] : memref<5x128x128xf32, #tpu.memory_space<vmem>> -> memref<1x128x128xf32, #tpu.memory_space<vmem>>
    %dma_wait3A_265 = tpu.memref_squeeze %dma_wait3A_264 : memref<1x128x128xf32, #tpu.memory_space<vmem>> -> memref<128x128xf32, #tpu.memory_space<vmem>>
    %dma_wait3A_266 = arith.constant 0 : i32
    %dma_wait3A_267 = tpu.memref_slice %arg4[%mul3A_260, %dma_wait3A_266] : memref<819200x128xf32, #tpu.memory_space<hbm>> -> memref<128x128xf32, #tpu.memory_space<hbm>>
    %dma_wait3A_268 = arith.constant 0 : i32
    %dma_wait3A_269 = tpu.memref_slice %arg4[%mul3A_260, %dma_wait3A_268] : memref<819200x128xf32, #tpu.memory_space<hbm>> -> memref<128x128xf32, #tpu.memory_space<hbm>>
    %dma_wait3A_270 = arith.constant 0 : i32
    %dma_wait3A_271 = arith.constant 0 : i32
    %dma_wait3A_272 = tpu.memref_slice %arg6[%dma_wait3A_261, %dma_wait3A_270, %dma_wait3A_271] : memref<5x128x128xf32, #tpu.memory_space<vmem>> -> memref<1x128x128xf32, #tpu.memory_space<vmem>>
    %dma_wait3A_273 = tpu.memref_squeeze %dma_wait3A_272 : memref<1x128x128xf32, #tpu.memory_space<vmem>> -> memref<128x128xf32, #tpu.memory_space<vmem>>
    tpu.wait_dma2 semaphore(%arg13 : memref<!tpu.dma_semaphore, #tpu.memory_space<semaphore_mem>>) src(%dma_wait3A_273 : memref<128x128xf32, #tpu.memory_space<vmem>>) dst(%dma_wait3A_269 : memref<128x128xf32, #tpu.memory_space<hbm>>)
    %add3A_274 = arith.constant 0 : i32
    %add3A_275 = arith.addi %mul3A_2, %add3A_274 : i32
    %mul3A_276 = arith.constant 128 : i32
    %mul3A_277 = arith.muli %add3A_275, %mul3A_276 : i32
    %dma_wait3A_278 = arith.constant 2 : i32
    %dma_wait3A_279 = arith.constant 0 : i32
    %dma_wait3A_280 = arith.constant 0 : i32
    %dma_wait3A_281 = tpu.memref_slice %arg6[%dma_wait3A_278, %dma_wait3A_279, %dma_wait3A_280] : memref<5x128x128xf32, #tpu.memory_space<vmem>> -> memref<1x128x128xf32, #tpu.memory_space<vmem>>
    %dma_wait3A_282 = tpu.memref_squeeze %dma_wait3A_281 : memref<1x128x128xf32, #tpu.memory_space<vmem>> -> memref<128x128xf32, #tpu.memory_space<vmem>>
    %dma_wait3A_283 = arith.constant 0 : i32
    %dma_wait3A_284 = tpu.memref_slice %arg4[%mul3A_277, %dma_wait3A_283] : memref<819200x128xf32, #tpu.memory_space<hbm>> -> memref<128x128xf32, #tpu.memory_space<hbm>>
    %dma_wait3A_285 = arith.constant 0 : i32
    %dma_wait3A_286 = tpu.memref_slice %arg4[%mul3A_277, %dma_wait3A_285] : memref<819200x128xf32, #tpu.memory_space<hbm>> -> memref<128x128xf32, #tpu.memory_space<hbm>>
    %dma_wait3A_287 = arith.constant 0 : i32
    %dma_wait3A_288 = arith.constant 0 : i32
    %dma_wait3A_289 = tpu.memref_slice %arg6[%dma_wait3A_278, %dma_wait3A_287, %dma_wait3A_288] : memref<5x128x128xf32, #tpu.memory_space<vmem>> -> memref<1x128x128xf32, #tpu.memory_space<vmem>>
    %dma_wait3A_290 = tpu.memref_squeeze %dma_wait3A_289 : memref<1x128x128xf32, #tpu.memory_space<vmem>> -> memref<128x128xf32, #tpu.memory_space<vmem>>
    tpu.wait_dma2 semaphore(%arg14 : memref<!tpu.dma_semaphore, #tpu.memory_space<semaphore_mem>>) src(%dma_wait3A_290 : memref<128x128xf32, #tpu.memory_space<vmem>>) dst(%dma_wait3A_286 : memref<128x128xf32, #tpu.memory_space<hbm>>)
    %add3A_291 = arith.constant 0 : i32
    %add3A_292 = arith.addi %mul3A_2, %add3A_291 : i32
    %mul3A_293 = arith.constant 128 : i32
    %mul3A_294 = arith.muli %add3A_292, %mul3A_293 : i32
    %dma_wait3A_295 = arith.constant 3 : i32
    %dma_wait3A_296 = arith.constant 0 : i32
    %dma_wait3A_297 = arith.constant 0 : i32
    %dma_wait3A_298 = tpu.memref_slice %arg6[%dma_wait3A_295, %dma_wait3A_296, %dma_wait3A_297] : memref<5x128x128xf32, #tpu.memory_space<vmem>> -> memref<1x128x128xf32, #tpu.memory_space<vmem>>
    %dma_wait3A_299 = tpu.memref_squeeze %dma_wait3A_298 : memref<1x128x128xf32, #tpu.memory_space<vmem>> -> memref<128x128xf32, #tpu.memory_space<vmem>>
    %dma_wait3A_300 = arith.constant 0 : i32
    %dma_wait3A_301 = tpu.memref_slice %arg4[%mul3A_294, %dma_wait3A_300] : memref<819200x128xf32, #tpu.memory_space<hbm>> -> memref<128x128xf32, #tpu.memory_space<hbm>>
    %dma_wait3A_302 = arith.constant 0 : i32
    %dma_wait3A_303 = tpu.memref_slice %arg4[%mul3A_294, %dma_wait3A_302] : memref<819200x128xf32, #tpu.memory_space<hbm>> -> memref<128x128xf32, #tpu.memory_space<hbm>>
    %dma_wait3A_304 = arith.constant 0 : i32
    %dma_wait3A_305 = arith.constant 0 : i32
    %dma_wait3A_306 = tpu.memref_slice %arg6[%dma_wait3A_295, %dma_wait3A_304, %dma_wait3A_305] : memref<5x128x128xf32, #tpu.memory_space<vmem>> -> memref<1x128x128xf32, #tpu.memory_space<vmem>>
    %dma_wait3A_307 = tpu.memref_squeeze %dma_wait3A_306 : memref<1x128x128xf32, #tpu.memory_space<vmem>> -> memref<128x128xf32, #tpu.memory_space<vmem>>
    tpu.wait_dma2 semaphore(%arg15 : memref<!tpu.dma_semaphore, #tpu.memory_space<semaphore_mem>>) src(%dma_wait3A_307 : memref<128x128xf32, #tpu.memory_space<vmem>>) dst(%dma_wait3A_303 : memref<128x128xf32, #tpu.memory_space<hbm>>)
    %add3A_308 = arith.constant 0 : i32
    %add3A_309 = arith.addi %mul3A_2, %add3A_308 : i32
    %mul3A_310 = arith.constant 128 : i32
    %mul3A_311 = arith.muli %add3A_309, %mul3A_310 : i32
    %dma_wait3A_312 = arith.constant 4 : i32
    %dma_wait3A_313 = arith.constant 0 : i32
    %dma_wait3A_314 = arith.constant 0 : i32
    %dma_wait3A_315 = tpu.memref_slice %arg6[%dma_wait3A_312, %dma_wait3A_313, %dma_wait3A_314] : memref<5x128x128xf32, #tpu.memory_space<vmem>> -> memref<1x128x128xf32, #tpu.memory_space<vmem>>
    %dma_wait3A_316 = tpu.memref_squeeze %dma_wait3A_315 : memref<1x128x128xf32, #tpu.memory_space<vmem>> -> memref<128x128xf32, #tpu.memory_space<vmem>>
    %dma_wait3A_317 = arith.constant 0 : i32
    %dma_wait3A_318 = tpu.memref_slice %arg4[%mul3A_311, %dma_wait3A_317] : memref<819200x128xf32, #tpu.memory_space<hbm>> -> memref<128x128xf32, #tpu.memory_space<hbm>>
    %dma_wait3A_319 = arith.constant 0 : i32
    %dma_wait3A_320 = tpu.memref_slice %arg4[%mul3A_311, %dma_wait3A_319] : memref<819200x128xf32, #tpu.memory_space<hbm>> -> memref<128x128xf32, #tpu.memory_space<hbm>>
    %dma_wait3A_321 = arith.constant 0 : i32
    %dma_wait3A_322 = arith.constant 0 : i32
    %dma_wait3A_323 = tpu.memref_slice %arg6[%dma_wait3A_312, %dma_wait3A_321, %dma_wait3A_322] : memref<5x128x128xf32, #tpu.memory_space<vmem>> -> memref<1x128x128xf32, #tpu.memory_space<vmem>>
    %dma_wait3A_324 = tpu.memref_squeeze %dma_wait3A_323 : memref<1x128x128xf32, #tpu.memory_space<vmem>> -> memref<128x128xf32, #tpu.memory_space<vmem>>
    tpu.wait_dma2 semaphore(%arg16 : memref<!tpu.dma_semaphore, #tpu.memory_space<semaphore_mem>>) src(%dma_wait3A_324 : memref<128x128xf32, #tpu.memory_space<vmem>>) dst(%dma_wait3A_320 : memref<128x128xf32, #tpu.memory_space<hbm>>)
    return
  }
}

</mosaic_0001>

<sc_bundles>
// kernel: kernel.3.cloned.1.call-start
scs
__scs_entry_jumppad:
0x0: {  	(pc) =	sbr.rel $0x88, $3  }
0x1: {  	(tag) =	ssettag $0x0;
	lr =	simm.s32 $0x1  }
0x2: {  	[smem:$0x3F9F] =	sst lr;
	_ =	strace $0xD0000000  }
0x3: {  	_ = 	snop  }
0x4: {  	_ = 	snop  }
0x5: {  	_ = 	snop  }
0x6: {  	_ = 	snop  }
0x7: {  	_ = 	snop  }
__scs_overlays_trampoline_lowered:
0x8: {  	[smem:$0x3FAE] =	sst s0  }
0x9: {  	[smem:$0x3FAF] =	sst s1  }
0xa: {  	[smem:$0x3FB0] =	sst s2  }
0xb: {  	[smem:$0x3FB1] =	sst s3  }
0xc: {  	[smem:$0x3FB2] =	sst s4  }
0xd: {  	[smem:$0x3FB3] =	sst s5  }
0xe: {  	[smem:$0x3FB4] =	sst s6  }
0xf: {  	[smem:$0x3FB5] =	sst s7  }
0x10: {  	[smem:$0x3FB6] =	sst s8  }
0x11: {  	[smem:$0x3FB7] =	sst s9;
	s0 =	simm.s32 @!p0 $0x0  }
0x12: {  	s1 =	sld [smem:$0x3F9D];
	s0 =	simm.s32 @p0 $0x1  }
0x13: {  	[smem:$0x3FB8] =	sst s0;
	s0 =	simm.s32 @!p1 $0x0  }
0x14: {  	s2 =	sld [smem:$0x3F9C];
	s0 =	simm.s32 @p1 $0x1  }
0x15: {  	[smem:$0x3FB9] =	sst s0;
	s0 =	simm.s32 @!p2 $0x0  }
0x16: {  	s3 =	sld [smem:$0x3FDB];
	s0 =	simm.s32 @p2 $0x1  }
0x17: {  	s4 =	simm.s32 $0x1BF5;
	[smem:$0x3FBB] =	sst s0  }
0x18: {  	s0 =	sld [smem:$0x3F9E];
	_ =	swait.ge [sflag:s4], $0x0  }
0x19: {  	s7 =	sld [smem:$0x3F9F]  }
0x1a: {  	s8 =	sadd.s32 $0xFFFFE003, lr  }
0x1b: {  	s9 =	sadd.s32 $0xFFFFFEF7, lr;
	s5 =	simm.s32 $0xFFFFFFFF;
	p2 =	slt.u32 s8, $0xFFFFF086  }
0x1c: {  	p1 =	slt.u32 s9, $0xF7A;
	s5 =	simm.s32 @!p2 $0x0  }
0x1d: {  	s5 =	simm.s32 @p1 $0x1;
	p0 =	seq.s32 s7, s2  }
0x1e: {  	s7 =	smul.u32 @!p0 $0xF7A, s2;
	p2 =	seq.s32 @!p0 s5, $0x0  }
0x1f: {  	s9 =	smul.u32 $0xF7A, s1;
	s8 =	simm.s32 @!p0 $0x1BF5;
	p2 =	por !p2, p0  }
0x20: {  	[sflag:s8] =	ssyncset.s32 @!p0 $0xFFFFF086;
	s6 =	sadd.s32 @!p0 s3, s7;
	s7 =	simm.s32 @!p0 $0x108  }
0x21: {  	s3 =	sadd.s32 s3, s9;
	s6 =	sadd.s32 @!p0 $0x88, s6;
	s7 =	simm.s32 @p2 $0x1082  }
0x22: {  	[simem:s7], [sflag:s8] =	dma.local @!p0 [hbm:s6], $0xF7A  }
0x23: {  	s9 =	sor.u32 $0xD0000000, s2;
	s6 =	simm.s32 $0x108;
	_ =	swait.ge @!p0 [sflag:s8], $0x0  }
0x24: {  	s3 =	sadd.s32 $0x88, s3;
	s6 =	simm.s32 @!p1 $0x1082;
	[sflag:s4] =	ssyncset.s32 $0xFFFFF086  }
0x25: {  	[simem:s6], [sflag:s4] =	dma.local [hbm:s3], $0xF7A  }
0x26: {  	[smem:$0x3F9F] =	sst s1;
	(tag) =	ssettag s2;
	_ =	strace s9  }
0x27: {  	s1 =	sld [smem:$0x3FAF]  }
0x28: {  	s2 =	sld [smem:$0x3FB0]  }
0x29: {  	s4 =	sld [smem:$0x3FB2]  }
0x2a: {  	p0 =	seq.s32 s5, $0x0;
	s5 =	sld [smem:$0x3FB3]  }
0x2b: {  	s6 =	sld [smem:$0x3FB4]  }
0x2c: {  	s7 =	sld [smem:$0x3FB5]  }
0x2d: {  	s3 =	simm.s32 $0x108;
	s8 =	sld [smem:$0x3FB6]  }
0x2e: {  	s3 =	simm.s32 @!p0 $0x1082;
	s9 =	sld [smem:$0x3FB7]  }
0x2f: {  	lr =	sadd.s32 s0, s3;
	s0 =	sld [smem:$0x3FAE]  }
0x30: {  	s3 =	sld [smem:$0x3FB1]  }
0x31: {  	[smem:$0x3FBA] =	sst s10  }
0x32: {  	s10 =	sld [smem:$0x3FB8];
	_ =	sdelay $0x3  }
0x33: {  	p0 =	seq.s32 s10, $0x1;
	s10 =	sld [smem:$0x3FBA];
	_ =	sdelay $0x3  }
0x34: {  	[smem:$0x3FBA] =	sst s10  }
0x35: {  	s10 =	sld [smem:$0x3FB9];
	_ =	sdelay $0x3  }
0x36: {  	p1 =	seq.s32 s10, $0x1;
	s10 =	sld [smem:$0x3FBA];
	_ =	sdelay $0x3  }
0x37: {  	[smem:$0x3FBA] =	sst s10  }
0x38: {  	s10 =	sld [smem:$0x3FBB]  }
0x39: {  	_ = 	snop;
	(pc) =	sbr.ind lr, $3  }
0x3a: {  	_ = 	snop  }
0x3b: {  	_ = 	snop  }
0x3c: {  	p2 =	seq.s32 s10, $0x1;
	s10 =	sld [smem:$0x3FBA]  }
0x3d: {  	_ =	shalt  }
0x3e: {  	_ =	shalt  }
0x3f: {  	_ =	shalt  }
0x40: {  	_ =	shalt  }
0x41: {  	_ =	shalt  }
0x42: {  	_ =	shalt  }
0x43: {  	_ =	shalt  }
0x44: {  	_ =	shalt  }
0x45: {  	_ =	shalt  }
0x46: {  	_ =	shalt  }
0x47: {  	_ =	shalt  }
0x48: {  	_ =	shalt  }
0x49: {  	_ =	shalt  }
0x4a: {  	_ =	shalt  }
0x4b: {  	_ =	shalt  }
0x4c: {  	_ =	shalt  }
0x4d: {  	_ =	shalt  }
0x4e: {  	_ =	shalt  }
0x4f: {  	_ =	shalt  }
0x50: {  	_ =	shalt  }
0x51: {  	_ =	shalt  }
0x52: {  	_ =	shalt  }
0x53: {  	_ =	shalt  }
0x54: {  	_ =	shalt  }
0x55: {  	_ =	shalt  }
0x56: {  	_ =	shalt  }
0x57: {  	_ =	shalt  }
0x58: {  	_ =	shalt  }
0x59: {  	_ =	shalt  }
0x5a: {  	_ =	shalt  }
0x5b: {  	_ =	shalt  }
0x5c: {  	_ =	shalt  }
0x5d: {  	_ =	shalt  }
0x5e: {  	_ =	shalt  }
0x5f: {  	_ =	shalt  }
0x60: {  	_ =	shalt  }
0x61: {  	_ =	shalt  }
0x62: {  	_ =	shalt  }
0x63: {  	_ =	shalt  }
0x64: {  	_ =	shalt  }
0x65: {  	_ =	shalt  }
0x66: {  	_ =	shalt  }
0x67: {  	_ =	shalt  }
0x68: {  	_ =	shalt  }
0x69: {  	_ =	shalt  }
0x6a: {  	_ =	shalt  }
0x6b: {  	_ =	shalt  }
0x6c: {  	_ =	shalt  }
0x6d: {  	_ =	shalt  }
0x6e: {  	_ =	shalt  }
0x6f: {  	_ =	shalt  }
0x70: {  	_ =	shalt  }
0x71: {  	_ =	shalt  }
0x72: {  	_ =	shalt  }
0x73: {  	_ =	shalt  }
0x74: {  	_ =	shalt  }
0x75: {  	_ =	shalt  }
0x76: {  	_ =	shalt  }
0x77: {  	_ =	shalt  }
0x78: {  	_ =	shalt  }
0x79: {  	_ =	shalt  }
0x7a: {  	_ =	shalt  }
0x7b: {  	_ =	shalt  }
0x7c: {  	_ =	shalt  }
0x7d: {  	_ =	shalt  }
0x7e: {  	_ =	shalt  }
0x7f: {  	_ =	shalt  }
0x80: {  	_ =	shalt  }
0x81: {  	_ =	shalt  }
0x82: {  	_ =	shalt  }
0x83: {  	_ =	shalt  }
0x84: {  	_ =	shalt  }
0x85: {  	_ =	shalt  }
0x86: {  	_ =	shalt  }
0x87: {  	_ =	shalt  }
.Lfunc_end0:
.L_simem_size_0:
called_computation.1_lowered:
.L_overlay_start_0:
0x88: {  	s2 =	sld [smem:$0x3FD9]  }
0x89: {  	s3 =	sld [smem:$0x3FFE];
	_ =	sdelay $0x1  }
0x8a: {  	s1 =	srdreg.scid  }
0x8b: {  	s0 =	sand.u32 $0x1, s1  }
0x8c: {  	s16 =	sshll.u32 s0, $0xA;
	s2 =	sadd.s32 s3, s2  }
0x8d: {  	s2 =	sadd.s32 s2, s16  }
0x8e: {  	[smem:$0x3FC6] =	sst s2  }
0x8f: {  	_ = 	snop  }
0x90: {  	(tm) =	ssettm $0x1  }
0x91: {  	s17 =	sld [smem:$0x3FFB];
	_ =	sdelay $0x3  }
0x92: {  	_ =	strace s17  }
0x93: {  	s2 =	sld [smem:$0x3FFC];
	_ =	sdelay $0x3  }
0x94: {  	_ =	strace s2  }
0x95: {  	s2 =	sld [smem:$0x3FFD];
	_ =	sdelay $0x3  }
0x96: {  	_ =	strace s2  }
0x97: {  	_ =	strace $0x8FFFFFFF  }
0x98: {  	s18 =	sld [smem:$0x3FDB];
	_ =	sdelay $0x1  }
0x99: {  	s19 =	simm.s32 $_scs_section_size  }
0x9a: {  	s4 =	simm.s32 $_size__tile_overlayer_lowered;
	s5 =	simm.s32 $_tile_overlayer_lowered  }
0x9b: {  	s22 =	simm.s32 $0x1BFF;
	s21 =	sshll.u32 s5, $0x1;
	s2 =	sadd.s32 s19, s18  }
0x9c: {  	s6 =	simm.s32 $0x0;
	s20 =	sshll.u32 s4, $0x1;
	s4 =	sadd.s32 s21, s2  }
0x9d: {  	[timem:s6], [sflag:s22] =	dma.local [hbm:s4], s20  }
0x9e: {  	_ =	swait.ge [sflag:s22], s20  }
0x9f: {  	s3 =	ssub.s32 $0x0, s20;
	[sflag:s22] =	ssyncset.done $0x0  }
0xa0: {  	[sflag:s22] =	ssyncadd.s32 s3;
	_ =	sdelay $0x1  }
0xa1: {  	s23 =	simm.s32 $0x1B8B  }
0xa2: {  	_ =	swait.ge [sflag:s23], $0x1  }
0xa3: {  	[sflag:s23] =	ssyncset.done $0x0  }
0xa4: {  	s25 =	simm.s32 $0x1B8E;
	s24 =	sld [smem:$0x3FFE];
	[sflag:s23] =	ssyncadd.s32 $0xFFFFFFFF  }
0xa5: {  	s26 =	simm.s32 $execute0_lowered;
	[smem:$0x3FD2] =	sst s25  }
0xa6: {  	s4 =	sshll.u32 s26, $0x1;
	_ =	strace $0x80000046;
	[dreg:$0x1] =	wrdreg $0xFFFFFFFF  }
0xa7: {  	s28 =	simm.s32 $_size_execute0_lowered;
	s2 =	sadd.s32 s2, s4;
	[dreg:$0x0] =	wrdreg $0x0  }
0xa8: {  	s4 =	sshll.u32 s28, $0x1;
	[dreg:$0x2] =	wrdreg s2  }
0xa9: {  	[dreg:$0x3] =	wrdreg s4  }
0xaa: {  	[dreg:$0x4] =	wrdreg $0xC0  }
0xab: {  	_ =	task [dreg:s6], $0x5FFFF  }
0xac: {  	[dreg:$0x1] =	wrdreg $0xFFFFFFFF  }
0xad: {  	[dreg:$0x0] =	wrdreg $0x60  }
0xae: {  	[dreg:$0x2] =	wrdreg s24  }
0xaf: {  	[dreg:$0x3] =	wrdreg $0x9  }
0xb0: {  	_ =	task.clear_ibuf [dreg:s6], $0x4FFFF;
	_ =	strace $0x90000046  }
0xb1: {  	s29 =	simm.s32 $0x9;
	_ =	strace $0x80000048  }
0xb2: {  	_ =	swait.ge [sflag:s29], $0x1  }
0xb3: {  	[sflag:s29] =	ssyncadd.s32 $0xFFFFFFFF  }
0xb4: {  	_ =	strace $0x90000048  }
0xb5: {  	_ =	sfence  }
0xb6: {  	s30 =	sld [smem:$0x0];
	_ =	sdelay $0x2  }
0xb7: {  	s31 =	sshll.u32 s1, $0xD;
	s1 =	sshrl.u32 s1, $0x2  }
0xb8: {  	s3 =	sand.u32 $0x4000, s31;
	s1 =	sadd.s32 s1, s30  }
0xb9: {  	s0 =	sor.u32 s3, s0;
	s1 =	sshll.u32 s1, $0x11  }
0xba: {  	s0 =	sor.u32 s1, s0  }
0xbb: {  	s0 =	sadd.s32 $0x8F2B, s0  }
0xbc: {  	[sflag:s0] =	ssyncadd.remote.s32 $0x1  }
0xbd: {  	_ =	sfence.sel $0xFFFF  }
0xbe: {  	[dreg:$0x0] =	wrdreg $0xFFFFFFFF;
	(pc) =	sbr.abs _section_cstart, $3  }
0xbf: {  	[dreg:$0x1] =	wrdreg $0xFFFFFFFF  }
0xc0: {  	_ =	task.clear_ibuf [dreg:s6], $0x2FFFF;
	_ =	strace $0x9FFFFFFF  }
0xc1: {  	(tm) =	ssettm $0x7FFFFFFF  }
tec
execute0_lowered:
.L_overlay_start_1:
0x0: {  	(tag) =	ssettag $0x1  }
0x1: {  	s0 =	srdreg.scid  }
0x2: {  	s9 =	stileid.u32;
	s4 =	rddreg [dreg:$0x0];
	s2 =	simm.s32 $0x0  }
0x3: {  	s13 =	simm.s32 $0x80;
	s14 =	simm.s32 $0x6400;
	s15 =	simm.s32 $0xA400  }
0x4: {  	s17 =	simm.s32 $0xE400;
	s19 =	simm.s32 $0x12400;
	s21 =	simm.s32 $0x16400  }
0x5: {  	s22 =	simm.s32 $0x1;
	s23 =	simm.s32 $0x2;
	s28 =	simm.s32 $0x6  }
0x6: {  	s29 =	simm.s32 $0x7;
	s30 =	simm.s32 $0x8;
	s8 =	smul.u32 $0x190, s9  }
0x7: {  	s31 =	simm.s32 $0x9;
	s0 =	sand.u32 $0x1, s0;
	s10 =	smul.u32 $0xC8000, s9  }
0x8: {  	s1 =	sshll.u32 s9, $0x1;
	[smem:$0x7FF] =	sst s2;
	s24 =	smul.u32 $0xC8, s0  }
0x9: {  	s1 =	sor.u32 s0, s1;
	s6 =	ssub.s32 $0x2, s0;
	s0 =	smul.u32 $0x64000, s0  }
0xa: {  	_ =	strace $0x80000047;
	s3 =	smul.u32 $0xC80, s1;
	s7 =	sshrl.u32 s6, $0x1  }
0xb: {  	s1 =	smul.u32 $0x320000, s1;
	s11 =	ssub.s32 s6, s7;
	s26 =	sadd.s32 s24, s8  }
0xc: {  	s0 =	sadd.s32 s0, s10;
	s24 =	simm.s32 $0x3;
	s5 =	sadd.s32 s3, s4  }
0xd: {  	s3 =	sadd.s32 $0x19800, s4;
	s4 =	sadd.s32 $0x1A0200, s4;
	s1 =	sshrl.u32 s1, $0x3  }
0xe: {  	s12 =	sshll.u32 s26, $0xB;
	s11 =	smax.u32 s11, $0x1;
	[dreg:$0x3] =	wrdreg s0  }
0xf: {  	s26 =	simm.s32 $0x5;
	s0 =	simm.s32 $0x0;
	s5 =	sadd.s32 $0x800, s5  }
0x10: {  	s1 =	sadd.s32 s4, s1;
	[dreg:$0x2] =	wrdreg s12;
	s12 =	simm.s32 $0xB  }
0x11: {  	[dreg:$0x4] =	wrdreg s5;
	s25 =	sadd.s32 $0x61800, s1;
	s7 =	sadd.s32 $0x62000, s1  }
0x12: {  	s8 =	sadd.s32 $0x62800, s1;
	s9 =	sadd.s32 $0x63000, s1;
	s10 =	sadd.s32 $0x63800, s1  }
0x13: {  	s1 =	simm.s32 $0xA;
	[dreg:$0x5] =	wrdreg s25;
	s25 =	simm.s32 $0x4  }
.LBB2_1:
0x14: {  	s5 =	rddreg [dreg:$0x4]  }
0x15: {  	[tilespmem:s2], [sflag:$0xB] =	stream.linear.gather [hbm4b:s5+s2], $0x6400, $0x38;
	[tilespmem:$0x1A400] =	vst v63  }
0x16: {  	_ =	swait.ge [sflag:s12], $0x6400  }
0x17: {  	[sflag:s12] =	ssyncset.done $0x0  }
0x18: {  	[sflag:s12] =	ssyncadd.s32 $0xFFFF9C00  }
0x19: {  	[tilespmem:s14], [sflag:$0x1] =	stream.indirect.gather [hbm4b:s3+s13], $0x80, s2, s13, $0xb8;
	[tilespmem:$0x1A400] =	vst v63  }
0x1a: {  	_ = 	snop  }
0x1b: {  	[tilespmem:s15], [sflag:$0x2] =	stream.indirect.gather [hbm4b:s3+s13], $0x80, s13, s13, $0xb8;
	[tilespmem:$0x1A400] =	vst v63  }
0x1c: {  	s16 =	simm.s32 $0x100  }
0x1d: {  	[tilespmem:s17], [sflag:$0x3] =	stream.indirect.gather [hbm4b:s3+s13], $0x80, s16, s13, $0xb8;
	[tilespmem:$0x1A400] =	vst v63  }
0x1e: {  	s18 =	simm.s32 $0x180  }
0x1f: {  	[tilespmem:s19], [sflag:$0x4] =	stream.indirect.gather [hbm4b:s3+s13], $0x80, s18, s13, $0xb8;
	[tilespmem:$0x1A400] =	vst v63  }
0x20: {  	s20 =	simm.s32 $0x200  }
0x21: {  	[tilespmem:s21], [sflag:$0x5] =	stream.indirect.gather [hbm4b:s3+s13], $0x80, s20, s13, $0xb8;
	[tilespmem:$0x1A400] =	vst v63  }
0x22: {  	_ =	swait.ge [sflag:s22], $0x4000  }
0x23: {  	s16 =	rddreg [dreg:$0x3];
	[sflag:s22] =	ssyncset.done $0x0  }
0x24: {  	[sflag:s22] =	ssyncadd.s32 $0xFFFFC000;
	s16 =	sadd.s32 s4, s16  }
0x25: {  	[hbm4b:s16+s2] =	stream.linear.scatter [tilespmem:s14], [sflag:$0x6], $0x4000, $0x38;
	[tilespmem:$0x1A400] =	vst v63  }
0x26: {  	_ =	swait.ge [sflag:s23], $0x4000  }
0x27: {  	s5 =	rddreg [dreg:$0x2]  }
0x28: {  	[sflag:s23] =	ssyncset.done $0x0;
	s16 =	sadd.s32 s4, s5  }
0x29: {  	[sflag:s23] =	ssyncadd.s32 $0xFFFFC000;
	s18 =	sadd.s32 $0x800, s16  }
0x2a: {  	[hbm4b:s18+s2] =	stream.linear.scatter [tilespmem:s15], [sflag:$0x7], $0x4000, $0x38;
	[tilespmem:$0x1A400] =	vst v63  }
0x2b: {  	_ =	swait.ge [sflag:s24], $0x4000  }
0x2c: {  	[sflag:s24] =	ssyncset.done $0x0  }
0x2d: {  	s6 =	sadd.s32 $0x1000, s16;
	[sflag:s24] =	ssyncadd.s32 $0xFFFFC000  }
0x2e: {  	[hbm4b:s6+s2] =	stream.linear.scatter [tilespmem:s17], [sflag:$0x8], $0x4000, $0x38;
	[tilespmem:$0x1A400] =	vst v63  }
0x2f: {  	_ =	swait.ge [sflag:s25], $0x4000  }
0x30: {  	[sflag:s25] =	ssyncset.done $0x0  }
0x31: {  	s20 =	sadd.s32 $0x1800, s16;
	[sflag:s25] =	ssyncadd.s32 $0xFFFFC000  }
0x32: {  	[hbm4b:s20+s2] =	stream.linear.scatter [tilespmem:s19], [sflag:$0x9], $0x4000, $0x38;
	[tilespmem:$0x1A400] =	vst v63  }
0x33: {  	_ =	swait.ge [sflag:s26], $0x4000  }
0x34: {  	[sflag:s26] =	ssyncset.done $0x0  }
0x35: {  	s16 =	sadd.s32 $0x2000, s16;
	[sflag:s26] =	ssyncadd.s32 $0xFFFFC000  }
0x36: {  	[hbm4b:s16+s2] =	stream.linear.scatter [tilespmem:s21], [sflag:$0xA], $0x4000, $0x38;
	[tilespmem:$0x1A400] =	vst v63  }
0x37: {  	_ =	swait.ge [sflag:s28], $0x4000  }
0x38: {  	[sflag:s28] =	ssyncset.done $0x0  }
0x39: {  	s5 =	simm.s32 $0x280;
	[sflag:s28] =	ssyncadd.s32 $0xFFFFC000  }
0x3a: {  	[tilespmem:s14], [sflag:$0x1] =	stream.indirect.gather [hbm4b:s3+s13], $0x80, s5, s13, $0xb8;
	[tilespmem:$0x1A400] =	vst v63  }
0x3b: {  	_ =	swait.ge [sflag:s29], $0x4000  }
0x3c: {  	[sflag:s29] =	ssyncset.done $0x0  }
0x3d: {  	s6 =	simm.s32 $0x300;
	[sflag:s29] =	ssyncadd.s32 $0xFFFFC000  }
0x3e: {  	[tilespmem:s15], [sflag:$0x2] =	stream.indirect.gather [hbm4b:s3+s13], $0x80, s6, s13, $0xb8;
	[tilespmem:$0x1A400] =	vst v63  }
0x3f: {  	_ =	swait.ge [sflag:s30], $0x4000  }
0x40: {  	[sflag:s30] =	ssyncset.done $0x0  }
0x41: {  	s18 =	simm.s32 $0x380;
	[sflag:s30] =	ssyncadd.s32 $0xFFFFC000  }
0x42: {  	[tilespmem:s17], [sflag:$0x3] =	stream.indirect.gather [hbm4b:s3+s13], $0x80, s18, s13, $0xb8;
	[tilespmem:$0x1A400] =	vst v63  }
0x43: {  	_ =	swait.ge [sflag:s31], $0x4000  }
0x44: {  	[sflag:s31] =	ssyncset.done $0x0  }
0x45: {  	s20 =	simm.s32 $0x400;
	[sflag:s31] =	ssyncadd.s32 $0xFFFFC000  }
0x46: {  	[tilespmem:s19], [sflag:$0x4] =	stream.indirect.gather [hbm4b:s3+s13], $0x80, s20, s13, $0xb8;
	[tilespmem:$0x1A400] =	vst v63  }
0x47: {  	_ =	swait.ge [sflag:s1], $0x4000  }
0x48: {  	s16 =	simm.s32 $0xA00;
	[sflag:s1] =	ssyncset.done $0x0  }
0x49: {  	s18 =	sadd.s32 $0x2800, s4;
	s20 =	simm.s32 $0x480;
	[sflag:s1] =	ssyncadd.s32 $0xFFFFC000  }
.LBB2_2:
0x4a: {  	[tilespmem:s21], [sflag:$0x5] =	stream.indirect.gather [hbm4b:s3+s13], $0x80, s20, s13, $0xb8;
	[tilespmem:$0x1A400] =	vst v63  }
0x4b: {  	_ =	swait.ge [sflag:s22], $0x4000  }
0x4c: {  	s5 =	rddreg [dreg:$0x3];
	[sflag:s22] =	ssyncset.done $0x0  }
0x4d: {  	[sflag:s22] =	ssyncadd.s32 $0xFFFFC000;
	s5 =	sadd.s32 s18, s5  }
0x4e: {  	[hbm4b:s5+s2] =	stream.linear.scatter [tilespmem:s14], [sflag:$0x6], $0x4000, $0x38;
	[tilespmem:$0x1A400] =	vst v63  }
0x4f: {  	_ =	swait.ge [sflag:s23], $0x4000  }
0x50: {  	s6 =	rddreg [dreg:$0x2]  }
0x51: {  	[sflag:s23] =	ssyncset.done $0x0;
	s5 =	sadd.s32 s18, s6  }
0x52: {  	[sflag:s23] =	ssyncadd.s32 $0xFFFFC000;
	s6 =	sadd.s32 $0x800, s5  }
0x53: {  	[hbm4b:s6+s2] =	stream.linear.scatter [tilespmem:s15], [sflag:$0x7], $0x4000, $0x38;
	[tilespmem:$0x1A400] =	vst v63  }
0x54: {  	_ =	swait.ge [sflag:s24], $0x4000  }
0x55: {  	[sflag:s24] =	ssyncset.done $0x0  }
0x56: {  	s6 =	sadd.s32 $0x1000, s5;
	[sflag:s24] =	ssyncadd.s32 $0xFFFFC000  }
0x57: {  	[hbm4b:s6+s2] =	stream.linear.scatter [tilespmem:s17], [sflag:$0x8], $0x4000, $0x38;
	[tilespmem:$0x1A400] =	vst v63  }
0x58: {  	_ =	swait.ge [sflag:s25], $0x4000  }
0x59: {  	[sflag:s25] =	ssyncset.done $0x0  }
0x5a: {  	s6 =	sadd.s32 $0x1800, s5;
	[sflag:s25] =	ssyncadd.s32 $0xFFFFC000  }
0x5b: {  	[hbm4b:s6+s2] =	stream.linear.scatter [tilespmem:s19], [sflag:$0x9], $0x4000, $0x38;
	[tilespmem:$0x1A400] =	vst v63  }
0x5c: {  	_ =	swait.ge [sflag:s26], $0x4000  }
0x5d: {  	[sflag:s26] =	ssyncset.done $0x0  }
0x5e: {  	s5 =	sadd.s32 $0x2000, s5;
	[sflag:s26] =	ssyncadd.s32 $0xFFFFC000  }
0x5f: {  	[hbm4b:s5+s2] =	stream.linear.scatter [tilespmem:s21], [sflag:$0xA], $0x4000, $0x38;
	[tilespmem:$0x1A400] =	vst v63  }
0x60: {  	s20 =	smov.u32 s16;
	_ =	swait.ge [sflag:s28], $0x4000  }
0x61: {  	s5 =	sshra.s32 s20, $0x2;
	[sflag:s28] =	ssyncset.done $0x0  }
0x62: {  	s20 =	sadd.s32 $0x280, s5;
	[sflag:s28] =	ssyncadd.s32 $0xFFFFC000  }
0x63: {  	[tilespmem:s14], [sflag:$0x1] =	stream.indirect.gather [hbm4b:s3+s13], $0x80, s20, s13, $0xb8;
	[tilespmem:$0x1A400] =	vst v63  }
0x64: {  	_ =	swait.ge [sflag:s29], $0x4000  }
0x65: {  	[sflag:s29] =	ssyncset.done $0x0  }
0x66: {  	s20 =	sadd.s32 $0x300, s5;
	[sflag:s29] =	ssyncadd.s32 $0xFFFFC000  }
0x67: {  	[tilespmem:s15], [sflag:$0x2] =	stream.indirect.gather [hbm4b:s3+s13], $0x80, s20, s13, $0xb8;
	[tilespmem:$0x1A400] =	vst v63  }
0x68: {  	_ =	swait.ge [sflag:s30], $0x4000  }
0x69: {  	[sflag:s30] =	ssyncset.done $0x0  }
0x6a: {  	s20 =	sadd.s32 $0x380, s5;
	[sflag:s30] =	ssyncadd.s32 $0xFFFFC000  }
0x6b: {  	[tilespmem:s17], [sflag:$0x3] =	stream.indirect.gather [hbm4b:s3+s13], $0x80, s20, s13, $0xb8;
	[tilespmem:$0x1A400] =	vst v63  }
0x6c: {  	_ =	swait.ge [sflag:s31], $0x4000  }
0x6d: {  	p0 =	sne.s32 s16, $0x17C00;
	[sflag:s31] =	ssyncset.done $0x0  }
.Ltmp0:
0x6e: {  	s20 =	sadd.s32 $0x400, s5;
	[sflag:s31] =	ssyncadd.s32 $0xFFFFC000;
	(pc) =	sbr.rel @p0 .LBB2_2-.Ltmp0, $4  }
0x6f: {  	[tilespmem:s19], [sflag:$0x4] =	stream.indirect.gather [hbm4b:s3+s13], $0x80, s20, s13, $0xb8;
	[tilespmem:$0x1A400] =	vst v63  }
0x70: {  	_ =	swait.ge [sflag:s1], $0x4000  }
0x71: {  	s16 =	sadd.s32 $0xA00, s16;
	[sflag:s1] =	ssyncset.done $0x0  }
0x72: {  	s18 =	sadd.s32 $0x2800, s18;
	s20 =	sadd.s32 $0x480, s5;
	[sflag:s1] =	ssyncadd.s32 $0xFFFFC000  }
0x73: {  	[tilespmem:s21], [sflag:$0x5] =	stream.indirect.gather [hbm4b:s3+s13], $0x80, s20, s13, $0xb8;
	[tilespmem:$0x1A400] =	vst v63  }
0x74: {  	_ =	swait.ge [sflag:s22], $0x4000  }
0x75: {  	[sflag:s22] =	ssyncset.done $0x0  }
0x76: {  	s5 =	rddreg [dreg:$0x5];
	[sflag:s22] =	ssyncadd.s32 $0xFFFFC000  }
0x77: {  	[hbm4b:s5+s2] =	stream.linear.scatter [tilespmem:s14], [sflag:$0x6], $0x4000, $0x38;
	[tilespmem:$0x1A400] =	vst v63  }
0x78: {  	_ =	swait.ge [sflag:s23], $0x4000  }
0x79: {  	[sflag:s23] =	ssyncset.done $0x0  }
0x7a: {  	[sflag:s23] =	ssyncadd.s32 $0xFFFFC000  }
0x7b: {  	[hbm4b:s7+s2] =	stream.linear.scatter [tilespmem:s15], [sflag:$0x7], $0x4000, $0x38;
	[tilespmem:$0x1A400] =	vst v63  }
0x7c: {  	_ =	swait.ge [sflag:s24], $0x4000  }
0x7d: {  	[sflag:s24] =	ssyncset.done $0x0  }
0x7e: {  	[sflag:s24] =	ssyncadd.s32 $0xFFFFC000  }
0x7f: {  	[hbm4b:s8+s2] =	stream.linear.scatter [tilespmem:s17], [sflag:$0x8], $0x4000, $0x38;
	[tilespmem:$0x1A400] =	vst v63  }
0x80: {  	_ =	swait.ge [sflag:s25], $0x4000  }
0x81: {  	[sflag:s25] =	ssyncset.done $0x0  }
0x82: {  	[sflag:s25] =	ssyncadd.s32 $0xFFFFC000  }
0x83: {  	[hbm4b:s9+s2] =	stream.linear.scatter [tilespmem:s19], [sflag:$0x9], $0x4000, $0x38;
	[tilespmem:$0x1A400] =	vst v63  }
0x84: {  	_ =	swait.ge [sflag:s26], $0x4000  }
0x85: {  	[sflag:s26] =	ssyncset.done $0x0  }
0x86: {  	[sflag:s26] =	ssyncadd.s32 $0xFFFFC000  }
0x87: {  	[hbm4b:s10+s2] =	stream.linear.scatter [tilespmem:s21], [sflag:$0xA], $0x4000, $0x38;
	[tilespmem:$0x1A400] =	vst v63  }
0x88: {  	_ =	swait.ge [sflag:s28], $0x4000  }
0x89: {  	[sflag:s28] =	ssyncset.done $0x0  }
0x8a: {  	[sflag:s28] =	ssyncadd.s32 $0xFFFFC000  }
0x8b: {  	_ =	swait.ge [sflag:s29], $0x4000  }
0x8c: {  	[sflag:s29] =	ssyncset.done $0x0  }
0x8d: {  	[sflag:s29] =	ssyncadd.s32 $0xFFFFC000  }
0x8e: {  	_ =	swait.ge [sflag:s30], $0x4000  }
0x8f: {  	[sflag:s30] =	ssyncset.done $0x0  }
0x90: {  	s0 =	sadd.s32 $0x1, s0;
	[sflag:s30] =	ssyncadd.s32 $0xFFFFC000  }
0x91: {  	p0 =	sne.s32 s0, s11;
	_ =	swait.ge [sflag:s31], $0x4000  }
.Ltmp1:
0x92: {  	[sflag:s31] =	ssyncset.done $0x0;
	(pc) =	sbr.rel @p0 .LBB2_1-.Ltmp1, $4  }
0x93: {  	[sflag:s31] =	ssyncadd.s32 $0xFFFFC000  }
0x94: {  	_ =	swait.ge [sflag:s1], $0x4000  }
0x95: {  	[sflag:s1] =	ssyncset.done $0x0  }
0x96: {  	[sflag:s1] =	ssyncadd.s32 $0xFFFFC000  }
0x97: {  	_ =	sfence.sel $0x180000  }
0x98: {  	[bflag:$0x0] =	sbarrier.arrive $0xFFFF  }
0x99: {  	_ =	strace $0x90000047  }
0x9a: {  	s0 =	stileid.u32;
	[bflag:$0x2] =	sbarrier.arrive $0xFFFF  }
0x9b: {  	p0 =	sne.s32 s0, $0x0;
	s0 =	rddreg [dreg:$0x1]  }
0x9c: {  	s0 =	sadd.s32 @!p0 $0x100000, s0  }
0x9d: {  	[sflag:s0] =	ssyncadd.tile.s32 @!p0 $0x1;
	_ =	shalt  }
.Lfunc_end2:
_tile_overlayer_lowered:
.L_overlay_start_2:
0x9e: {  	(tag) =	ssettag $0x2  }
0x9f: {  	s0 =	rddreg [dreg:$0x0];
	s2 =	stileid.u32  }
0xa0: {  	s1 =	rddreg [dreg:$0x1];
	p0 =	sne.s32 s2, $0x0  }
0xa1: {  	s3 =	rddreg [dreg:$0x2];
	[bflag:$0x3] =	sbarrier.arrive $0xFFFF;
	s2 =	simm.s32 @!p0 $0x1C0B  }
0xa2: {  	[timem:s3], [sflag:s2] =	dma.local @!p0 [hbm:s0], s1  }
0xa3: {  	s0 =	simm.s32 @!p0 $0xB  }
0xa4: {  	_ =	swait.ge @!p0 [sflag:s0], s1  }
0xa5: {  	s1 =	ssub.s32 @!p0 $0x0, s1;
	[sflag:s0] =	ssyncset.done @!p0 $0x0  }
0xa6: {  	[sflag:s0] =	ssyncadd.s32 @!p0 s1  }
0xa7: {  	[bflag:$0x3] =	sbarrier.arrive $0xFFFF  }
0xa8: {  	_ =	shalt  }

// kernel: sparse-core-data-format-call.cloned.1.call-start
scs
called_computation_lowered:
.L_overlay_start_0:
0x0: {  	s2 =	sld [smem:$0x3FD9]  }
0x1: {  	s3 =	sld [smem:$0x3FFE];
	_ =	sdelay $0x1  }
0x2: {  	s1 =	srdreg.scid  }
0x3: {  	s0 =	sand.u32 $0x1, s1  }
0x4: {  	s18 =	sshll.u32 s0, $0xA;
	s2 =	sadd.s32 s3, s2  }
0x5: {  	s2 =	sadd.s32 s2, s18  }
0x6: {  	[smem:$0x3FC6] =	sst s2  }
0x7: {  	_ = 	snop  }
0x8: {  	s2 =	sld [smem:$0x3FD0];
	(tm) =	ssettm $0x1  }
0x9: {  	s19 =	sld [smem:$0x3FFB];
	_ =	sdelay $0x3  }
0xa: {  	_ =	strace s19  }
0xb: {  	s3 =	sld [smem:$0x3FFC];
	_ =	sdelay $0x3  }
0xc: {  	_ =	strace s3  }
0xd: {  	s3 =	sld [smem:$0x3FFD];
	_ =	sdelay $0x3  }
0xe: {  	_ =	strace s3  }
0xf: {  	_ =	strace $0x8FFFFFFF  }
0x10: {  	s20 =	sld [smem:$0x3FDB];
	_ =	sdelay $0x1  }
0x11: {  	s4 =	simm.s32 $_scs_section_size  }
0x12: {  	s5 =	simm.s32 $_size__tile_overlayer_lowered;
	s6 =	simm.s32 $_tile_overlayer_lowered  }
0x13: {  	s23 =	simm.s32 $0x1BFF;
	s22 =	sshll.u32 s6, $0x1;
	s3 =	sadd.s32 s4, s20  }
0x14: {  	s7 =	simm.s32 $0x0;
	s21 =	sshll.u32 s5, $0x1;
	s5 =	sadd.s32 s22, s3  }
0x15: {  	[timem:s7], [sflag:s23] =	dma.local [hbm:s5], s21  }
0x16: {  	_ =	swait.ge [sflag:s23], s21  }
0x17: {  	s4 =	ssub.s32 $0x0, s21;
	[sflag:s23] =	ssyncset.done $0x0  }
0x18: {  	[sflag:s23] =	ssyncadd.s32 s4;
	_ =	sdelay $0x1  }
0x19: {  	s24 =	simm.s32 $0x1B8B  }
0x1a: {  	_ =	swait.ge [sflag:s24], $0x1  }
0x1b: {  	[sflag:s24] =	ssyncset.done $0x0  }
0x1c: {  	s26 =	simm.s32 $0x1B8E;
	s25 =	sld [smem:$0x3FFE];
	[sflag:s24] =	ssyncadd.s32 $0xFFFFFFFF  }
0x1d: {  	s27 =	simm.s32 $execute0_lowered;
	[smem:$0x3FD2] =	sst s26  }
0x1e: {  	s5 =	sshll.u32 s27, $0x1;
	_ =	strace $0x80000049;
	[dreg:$0x1] =	wrdreg $0xFFFFFFFF  }
0x1f: {  	s28 =	simm.s32 $_size_execute0_lowered;
	s3 =	sadd.s32 s3, s5;
	[dreg:$0x0] =	wrdreg $0x0  }
0x20: {  	s5 =	sshll.u32 s28, $0x1;
	[dreg:$0x2] =	wrdreg s3  }
0x21: {  	[dreg:$0x3] =	wrdreg s5  }
0x22: {  	[dreg:$0x4] =	wrdreg $0xC0  }
0x23: {  	_ =	task [dreg:s7], $0x5FFFF  }
0x24: {  	[dreg:$0x1] =	wrdreg $0xFFFFFFFF  }
0x25: {  	[dreg:$0x0] =	wrdreg $0x60  }
0x26: {  	[dreg:$0x2] =	wrdreg s25  }
0x27: {  	[dreg:$0x3] =	wrdreg s2  }
0x28: {  	[dreg:$0x4] =	wrdreg $0x9  }
0x29: {  	_ =	task.clear_ibuf [dreg:s7], $0x5FFFF;
	_ =	strace $0x90000049  }
0x2a: {  	s29 =	simm.s32 $0x9;
	_ =	strace $0x8000004B  }
0x2b: {  	_ =	swait.ge [sflag:s29], $0x1  }
0x2c: {  	[sflag:s29] =	ssyncadd.s32 $0xFFFFFFFF  }
0x2d: {  	_ =	strace $0x9000004B  }
0x2e: {  	_ =	sfence  }
0x2f: {  	s30 =	sld [smem:$0x0];
	_ =	sdelay $0x2  }
0x30: {  	s31 =	sshll.u32 s1, $0xD;
	s1 =	sshrl.u32 s1, $0x2  }
0x31: {  	s3 =	sand.u32 $0x4000, s31;
	s1 =	sadd.s32 s1, s30  }
0x32: {  	s0 =	sor.u32 s3, s0;
	s1 =	sshll.u32 s1, $0x11  }
0x33: {  	s0 =	sor.u32 s1, s0  }
0x34: {  	s0 =	sadd.s32 $0x8F2B, s0  }
0x35: {  	[sflag:s0] =	ssyncadd.remote.s32 $0x1  }
0x36: {  	_ =	sfence.sel $0xFFFF  }
0x37: {  	[dreg:$0x0] =	wrdreg $0xFFFFFFFF;
	(pc) =	sbr.abs _section_cstart, $3  }
0x38: {  	[dreg:$0x1] =	wrdreg $0xFFFFFFFF  }
0x39: {  	_ =	task.clear_ibuf [dreg:s7], $0x2FFFF;
	_ =	strace $0x9FFFFFFF  }
0x3a: {  	(tm) =	ssettm $0x7FFFFFFF  }
0x3b: {  	_ =	shalt  }
tec
execute0_lowered:
.L_overlay_start_1:
0x0: {  	(tag) =	ssettag $0x1  }
0x1: {  	s0 =	srdreg.scid  }
0x2: {  	s1 =	sshll.u32 s0, $0x4  }
0x3: {  	s0 =	stileid.u32;
	s1 =	sand.u32 $0x10, s1  }
0x4: {  	s1 =	sor.u32 s0, s1  }
0x5: {  	s6 =	rddreg [dreg:$0x0];
	s4 =	simm.s32 $0x1;
	s2 =	sshll.u32 s1, $0x7  }
0x6: {  	s7 =	simm.s32 $0x2;
	s12 =	simm.s32 $0x0;
	s1 =	ssub.s32 $0x1000, s2  }
0x7: {  	s8 =	simm.s32 $0x8000;
	s13 =	simm.s32 $0x0;
	s3 =	sand.u32 $0xF80, s1  }
0x8: {  	s9 =	simm.s32 $0x0;
	s5 =	sshrl.u32 s1, $0xC;
	p0 =	sne.s32 s3, $0x0  }
.Ltmp0:
0x9: {  	s1 =	rddreg [dreg:$0x2];
	s4 =	simm.s32 @!p0 $0x0;
	(pc) =	sbr.rel .LBB1_1-.Ltmp0, $4  }
0xa: {  	s11 =	simm.s32 $0x0;
	s3 =	rddreg [dreg:$0x1];
	s5 =	sadd.s32 s4, s5  }
0xb: {  	_ =	strace $0x8000004A;
	s4 =	simm.s32 $0x1;
	s5 =	smul.u32 $0xC8, s5  }
0xc: {  	s6 =	sadd.s32 $0x1A0200, s6;
	s10 =	smov.u32 s2;
	[sflag:s4] =	ssyncpa.u1 $0x0  }
0xd: {  	p0 =	por $0x0, $0x0;
	[sflag:s7] =	ssyncpa.u1 $0x0;
	s7 =	sor.u32 $0x1, s5  }
.LBB1_4:
0xe: {  	s16 =	sshll.u32 s13, $0x3;
	s17 =	sand.u32 $0x78, s13  }
0xf: {  	s30 =	sand.u32 $0x7E00, s13;
	s12 =	sshll.u32 s12, $0xF;
	s16 =	sand.u32 $0xC00, s16  }
0x10: {  	[tilespmem:s15+$0x810 ss:$0x81] =	vst.msk $0xffff, v2;
	s31 =	sand.u32 $0x7, s13;
	s16 =	sor.u32 s17, s16;
	s17 =	sadd.s32 s3, s30  }
0x11: {  	[tilespmem:s15+$0x1020 ss:$0x81] =	vst.msk $0xffff, v0;
	s13 =	sshll.u32 s31, $0x12;
	s12 =	sadd.s32 s12, s17;
	s16 =	sshrl.u32 s16, $0x3  }
0x12: {  	[tilespmem:s15+$0x0 ss:$0x81] =	vst.msk $0xffff, v1;
	s13 =	sor.u32 $0x400, s13;
	s12 =	sadd.s32 s16, s12  }
0x13: {  	[hbm4b:s12+s13] =	stream.strided.scatter [tilespmem:s14], [sflag:$0x2], $0x2000, s8, s13, $0x20;
	[tilespmem:$0x8080] =	vst v63  }
.LBB1_5:
0x14: {  	s14 =	sadd.s32 $0x1, s9  }
0x15: {  	s12 =	sadd.s32 $0x1000, s10;
	s16 =	smov.u32 s10;
	p2 =	sgt.s32 s14, $0xC7  }
0x16: {  	s16 =	smov.u32 @p2 s12  }
0x17: {  	s14 =	simm.s32 @p2 $0x0;
	p2 =	sgt.s32 s16, $0xFFF  }
0x18: {  	s16 =	smov.u32 @p2 s2;
	p2 =	sne.s32 s11, s7  }
.Ltmp1:
0x19: {  	p1 =	slt.u32 s11, $0x2;
	(pc) =	sbr.rel @!p2 .LBB1_6-.Ltmp1, $4  }
0x1a: {  	s15 =	simm.s32 @!p1 $0x2  }
0x1b: {  	s13 =	smov.u32 s10;
	p0 =	por !p0, !p0;
	_ =	swait.ge @!p1 [sflag:s15], $0x2000  }
0x1c: {  	s12 =	smov.u32 s9;
	[sflag:s15] =	ssyncset.done @!p1 $0x0;
	s9 =	smov.u32 s14  }
0x1d: {  	s11 =	sadd.s32 $0x1, s11;
	[sflag:s15] =	ssyncadd.s32 @!p1 $0xFFFFE000;
	s10 =	smov.u32 s16  }
.LBB1_1:
0x1e: {  	p1 =	sge.u32 s11, s5  }
0x1f: {  	s14 =	sand.u32 @!p1 $0x1FFFFFF, s9  }
0x20: {  	s15 =	smulhi.u32 @!p1 $0x147AE15, s14;
	_ =	sdelay $0x1  }
0x21: {  	s15 =	smul.u32 @!p1 $0xC8, s15  }
0x22: {  	s16 =	sxor.u32 @!p1 $0xFFFFFFFF, s11;
	s17 =	smul.u32 @!p1 $0xC80, s10  }
0x23: {  	s31 =	sadd.s32 $0xFFFFFFFF, s11;
	s16 =	sshll.u32 @!p1 s16, $0xD;
	s14 =	ssub.s32 @!p1 s14, s15  }
0x24: {  	s15 =	sand.u32 @!p1 $0x2000, s16;
	s16 =	sadd.s32 @!p1 s6, s17;
	s14 =	sshll.u32 @!p1 s14, $0x4  }
0x25: {  	s17 =	simm.s32 @!p1 $0x6400;
	s14 =	sadd.s32 @!p1 s14, s16;
	s16 =	simm.s32 @!p1 $0x40  }
0x26: {  	[tilespmem:s15], [sflag:$0x1] =	stream.strided.gather @!p1 [hbm4b:s14+s16], $0x2000, s17, s16, $0x38;
	[tilespmem:$0x8080] =	vst v63  }
0x27: {  	p1 =	sge.u32 s31, s5  }
.Ltmp2:
0x28: {  	_ = 	snop;
	(pc) =	sbr.rel @p1 .LBB1_5-.Ltmp2, $1  }
0x29: {  	_ =	sdelay $0x3  }
0x2a: {  	s14 =	simm.s32 $0x1  }
0x2b: {  	_ =	swait.ge [sflag:s4], $0x2000;
	s14 =	simm.s32 @!p0 $0x0  }
0x2c: {  	[sflag:s4] =	ssyncset.done $0x0;
	s15 =	sshll.u32 s14, $0xD  }
0x2d: {  	[sflag:s4] =	ssyncadd.s32 $0xFFFFE000;
	s18 =	sor.u32 $0x20, s15  }
0x2e: {  	s14 =	smul.u32 $0x8100, s14;
	v3 =	vld [tilespmem:s18+$0x10]  }
0x2f: {  	s30 =	sand.u32 $0x1, s11;
	v2 =	vld [tilespmem:s18+$0xFFFFFFF0]  }
0x30: {  	s15 =	smul.u32 $0x8100, s30;
	s14 =	sshrl.u32 s14, $0x2;
	v0 =	vld [tilespmem:s18+$0x0]  }
0x31: {  	v1 =	vld [tilespmem:s18+$0xFFFFFFE0];
	s16 =	sor.u32 $0x4000, s14  }
0x32: {  	s31 =	sshrl.u32 s15, $0x2;
	s15 =	sadd.s32 $0x0, s16  }
0x33: {  	s17 =	simm.s32 $0x4;
	s18 =	sadd.s32 $0x40, s18;
	s14 =	sor.u32 $0x4000, s31;
	[tilespmem:s15+$0x1830 ss:$0x81] =	vst.msk $0xffff, v3  }
.LBB1_3:
0x34: {  	v3 =	vld [tilespmem:s18+$0x10];
	p1 =	sne.s32 s17, $0x1FC;
	[tilespmem:s15+$0x810 ss:$0x81] =	vst.msk $0xffff, v2;
	s19 =	smov.u32 s17;
	s17 =	sadd.s32 $0x4, s17  }
.Ltmp3:
0x35: {  	v2 =	vld [tilespmem:s18+$0xFFFFFFF0];
	[tilespmem:s15+$0x1020 ss:$0x81] =	vst.msk $0xffff, v0;
	(pc) =	sbr.rel @p1 .LBB1_3-.Ltmp3, $4  }
0x36: {  	v0 =	vld [tilespmem:s18+$0x0];
	[tilespmem:s15+$0x0 ss:$0x81] =	vst.msk $0xffff, v1  }
0x37: {  	s15 =	sshra.s32 s19, $0x2;
	v1 =	vld [tilespmem:s18+$0xFFFFFFE0]  }
0x38: {  	s15 =	sadd.s32 s15, s16  }
0x39: {  	s18 =	sadd.s32 $0x40, s18;
	[tilespmem:s15+$0x1830 ss:$0x81] =	vst.msk $0xffff, v3  }
.Ltmp4:
0x3a: {  	_ = 	snop;
	(pc) =	sbr.rel .LBB1_4-.Ltmp4, $1  }
0x3b: {  	_ =	sdelay $0x3  }
.LBB1_6:
0x3c: {  	_ =	sfence.sel $0x180000  }
0x3d: {  	s2 =	simm.s32 $0x1;
	[bflag:$0x0] =	sbarrier.arrive $0xFFFF  }
0x3e: {  	s31 =	simm.s32 $0x2;
	[sflag:s2] =	ssyncpa.u1 $0x1  }
0x3f: {  	[sflag:s31] =	ssyncpa.u1 $0x1  }
0x40: {  	p0 =	sne.s32 s0, $0x0;
	_ =	strace $0x9000004A  }
0x41: {  	s0 =	sadd.s32 @!p0 $0x100000, s1;
	[bflag:$0x2] =	sbarrier.arrive $0xFFFF  }
0x42: {  	[sflag:s0] =	ssyncadd.tile.s32 @!p0 $0x1;
	_ =	shalt  }
.Lfunc_end1:
_tile_overlayer_lowered:
.L_overlay_start_2:
0x43: {  	(tag) =	ssettag $0x2  }
0x44: {  	s0 =	rddreg [dreg:$0x0];
	s2 =	stileid.u32  }
0x45: {  	s1 =	rddreg [dreg:$0x1];
	p0 =	sne.s32 s2, $0x0  }
0x46: {  	s3 =	rddreg [dreg:$0x2];
	[bflag:$0x3] =	sbarrier.arrive $0xFFFF;
	s2 =	simm.s32 @!p0 $0x1C01  }
0x47: {  	[timem:s3], [sflag:s2] =	dma.local @!p0 [hbm:s0], s1  }
0x48: {  	s0 =	simm.s32 @!p0 $0x1  }
0x49: {  	_ =	swait.ge @!p0 [sflag:s0], s1  }
0x4a: {  	s1 =	ssub.s32 @!p0 $0x0, s1;
	[sflag:s0] =	ssyncset.done @!p0 $0x0  }
0x4b: {  	[sflag:s0] =	ssyncadd.s32 @!p0 s1  }
0x4c: {  	[bflag:$0x3] =	sbarrier.arrive $0xFFFF  }
0x4d: {  	_ =	shalt  }

</sc_bundles>
